<compile_context>
chip_gen: v7x
topology: tpu7x:2x2x1
jax: 0.10.2.dev20260603
libtpu: 0.0.44.dev20260713+nightly
codegen_flags: <defaults>
</compile_context>

<pallas_src>
import functools

import jax
import jax.numpy as jnp
from jax import lax
from jax.experimental import pallas as pl
from jax.experimental.pallas import tpu as pltpu
from jax.experimental.pallas import tpu_sc as plsc

BS_, QLEN_, KLEN_ = 2, 48, 48
NH_, DKV_ = 8, 64
INNER_ = NH_ * DKV_
VOCAB_ = 1024
TOK_ = QLEN_ * KLEN_
NTOK_ = BS_ * TOK_ * NH_
NW_ = 32
BPW_ = NTOK_ // NW_
PAD_ = 128
NCH_ = 4
CH_ = BPW_ // NCH_


def _prep_body(dw_ref, vg_ref, vb_ref, wo_ref, cn_ref, tab_ref):
    f32 = jnp.float32
    dw = dw_ref[...]
    dsum = jnp.sum(dw * dw, axis=-1, keepdims=True)
    cn_ref[...] = dw / jnp.sqrt(jnp.maximum(dsum, 1e-12))
    mu = jnp.mean(dw, axis=-1, keepdims=True)
    var = jnp.mean(jnp.square(dw - mu), axis=-1, keepdims=True)
    ln_d = (dw - mu) / jnp.sqrt(var + 1e-6) * vg_ref[0] + vb_ref[0]
    tab_ref[:, :DKV_] = jnp.dot(ln_d, wo_ref[...], preferred_element_type=f32)
    tab_ref[:, DKV_:] = jnp.zeros((VOCAB_, PAD_ - DKV_), f32)


def _vq_body(q_ref, qpe_ref, k_ref, kpe_ref, wi_ref, cn_ref, tab_ref,
             seg_ref, lg_ref, lb_ref,
             idx_ref, score_ref, r3_ref):
    f32 = jnp.float32
    q_in = q_ref[0] + qpe_ref[0]
    k_in = k_ref[0] + kpe_ref[0]
    wq = wi_ref[0, :INNER_, :]
    wk = wi_ref[0, INNER_:, :]
    q2h = jnp.dot(q_in, wq, preferred_element_type=f32)
    k2h = jnp.dot(k_in, wk, preferred_element_type=f32)

    y3 = q2h[:, None, :] + k2h[None, :, :]
    y = y3.reshape(TOK_, DKV_)
    ssum = jnp.sum(y * y, axis=-1, keepdims=True)
    yn = y / jnp.sqrt(jnp.maximum(ssum, 1e-12))

    sims = lax.dot_general(cn_ref[...], yn, (((1,), (1,)), ((), ())),
                           preferred_element_type=f32)
    m = jnp.max(sims, axis=0, keepdims=True)
    hit = sims == m
    iota = lax.broadcasted_iota(jnp.int32, (VOCAB_, TOK_), 0)
    idx = jnp.min(jnp.where(hit, iota, VOCAB_), axis=0,
                  keepdims=True)
    w = jnp.where(hit, sims, f32(0.0))

    idx_ref[0, 0] = idx
    score_ref[0, 0] = m

    wsum = lax.dot_general(seg_ref[...], w, (((1,), (1,)), ((), ())),
                           preferred_element_type=f32)
    r3 = lax.dot_general(wsum, tab_ref[:, :DKV_], (((1,), (0,)), ((), ())),
                         preferred_element_type=f32) / KLEN_
    rmu = jnp.mean(r3, axis=-1, keepdims=True)
    rvar = jnp.mean(jnp.square(r3 - rmu), axis=-1, keepdims=True)
    r3_ref[0, 0] = (r3 - rmu) / jnp.sqrt(rvar + 1e-6) * lg_ref[0] + lb_ref[0]


def _sc_gather_body(tab_hbm, idx_hbm, out_hbm,
                    i0, i1, i2, i3, rows_a, rows_b, sem_a, sem_b):
    wid = lax.axis_index("s") * 2 + lax.axis_index("c")
    base = wid * BPW_
    pltpu.sync_copy(idx_hbm.at[pl.ds(base, CH_)], i0)
    pltpu.sync_copy(idx_hbm.at[pl.ds(base + CH_, CH_)], i1)
    pltpu.sync_copy(idx_hbm.at[pl.ds(base + 2 * CH_, CH_)], i2)
    pltpu.sync_copy(idx_hbm.at[pl.ds(base + 3 * CH_, CH_)], i3)
    c0 = pltpu.async_copy(tab_hbm.at[i0], rows_a, sem_a)
    c1 = pltpu.async_copy(tab_hbm.at[i1], rows_b, sem_b)
    c0.wait()
    pltpu.sync_copy(rows_a, out_hbm.at[pl.ds(base, CH_)])
    c2 = pltpu.async_copy(tab_hbm.at[i2], rows_a, sem_a)
    c1.wait()
    pltpu.sync_copy(rows_b,
                    out_hbm.at[pl.ds(base + CH_, CH_)])
    c3 = pltpu.async_copy(tab_hbm.at[i3], rows_b, sem_b)
    c2.wait()
    pltpu.sync_copy(rows_a,
                    out_hbm.at[pl.ds(base + 2 * CH_, CH_)])
    c3.wait()
    pltpu.sync_copy(rows_b,
                    out_hbm.at[pl.ds(base + 3 * CH_, CH_)])


_sc_cache = []


def _sc_gather(tab, idx):
    if not _sc_cache:
        mesh = plsc.VectorSubcoreMesh(core_axis_name="c", subcore_axis_name="s")
        _sc_cache.append(functools.partial(
            pl.kernel,
            mesh=mesh,
            out_type=jax.ShapeDtypeStruct((NTOK_, PAD_), jnp.float32),
            scratch_types=[
                pltpu.VMEM((CH_,), jnp.int32),
                pltpu.VMEM((CH_,), jnp.int32),
                pltpu.VMEM((CH_,), jnp.int32),
                pltpu.VMEM((CH_,), jnp.int32),
                pltpu.VMEM((CH_, PAD_), jnp.float32),
                pltpu.VMEM((CH_, PAD_), jnp.float32),
                pltpu.SemaphoreType.DMA,
                pltpu.SemaphoreType.DMA,
            ],
        )(_sc_gather_body))
    return _sc_cache[0](tab, idx)


@functools.partial(jax.jit, static_argnames=())
def kernel(query, key, q_position_embeddings, k_position_embeddings,
           wi, dict_w, vq_gamma, vq_beta, wo, ln_gamma, ln_beta):
    f32 = jnp.float32
    vg = vq_gamma.reshape(1, DKV_).astype(f32)
    vb = vq_beta.reshape(1, DKV_).astype(f32)
    lg = ln_gamma.reshape(1, DKV_).astype(f32)
    lb = ln_beta.reshape(1, DKV_).astype(f32)
    wi3 = wi.reshape(2 * INNER_, NH_, DKV_).transpose(1, 0, 2)
    seg = (jnp.arange(TOK_)[None, :] // KLEN_ ==
           jnp.arange(QLEN_)[:, None]).astype(f32)

    cn, emb_tab = pl.pallas_call(
        _prep_body,
        out_shape=[
            jax.ShapeDtypeStruct((VOCAB_, DKV_), f32),
            jax.ShapeDtypeStruct((VOCAB_, PAD_), f32),
        ],
    )(dict_w, vg, vb, wo)

    grid = (BS_, NH_)
    io3 = lambda b, h: (b, 0, 0)
    full = lambda b, h: (0, 0)
    in_specs = [
        pl.BlockSpec((1, QLEN_, INNER_), io3),
        pl.BlockSpec((1, QLEN_, INNER_), io3),
        pl.BlockSpec((1, KLEN_, INNER_), io3),
        pl.BlockSpec((1, KLEN_, INNER_), io3),
        pl.BlockSpec((1, 2 * INNER_, DKV_), lambda b, h: (h, 0, 0)),
        pl.BlockSpec((VOCAB_, DKV_), full),
        pl.BlockSpec((VOCAB_, PAD_), full),
        pl.BlockSpec((QLEN_, TOK_), full),
        pl.BlockSpec((1, DKV_), full),
        pl.BlockSpec((1, DKV_), full),
    ]
    out_shape = [
        jax.ShapeDtypeStruct((BS_, NH_, 1, TOK_), jnp.int32),
        jax.ShapeDtypeStruct((BS_, NH_, 1, TOK_), f32),
        jax.ShapeDtypeStruct((BS_, NH_, QLEN_, DKV_), f32),
    ]
    out_specs = [
        pl.BlockSpec((1, 1, 1, TOK_), lambda b, h: (b, h, 0, 0)),
        pl.BlockSpec((1, 1, 1, TOK_), lambda b, h: (b, h, 0, 0)),
        pl.BlockSpec((1, 1, QLEN_, DKV_), lambda b, h: (b, h, 0, 0)),
    ]
    idx, score, r3 = pl.pallas_call(
        _vq_body,
        grid=grid,
        in_specs=in_specs,
        out_specs=out_specs,
        out_shape=out_shape,
    )(query, q_position_embeddings, key, k_position_embeddings,
      wi3, cn, emb_tab, seg, lg, lb)

    idx_t = idx.reshape(BS_, NH_, QLEN_, KLEN_).transpose(0, 2, 3, 1)
    score_t = score.reshape(BS_, NH_, QLEN_, KLEN_).transpose(0, 2, 3, 1)

    emb_flat = _sc_gather(emb_tab, idx_t.reshape(NTOK_))
    emb = emb_flat[:, :DKV_].reshape(BS_, QLEN_, KLEN_, NH_, DKV_)

    return (r3, idx_t[..., None], score_t[..., None], emb)

# --- scband reference (transcript-rebuilt; emitter-appended) ---
"""Pipeline reference for scband-relative-role-35029753266256 (READ-ONLY COPY).

The authoritative reference and input builder live on the scoring server;
editing this copy changes nothing except your own understanding.
"""

import jax, jax.numpy as jnp
import numpy as np

BS, QLEN, KLEN = 2, 48, 48
N_HEADS, D_KV = 8, 64
INNER = N_HEADS * D_KV
VOCAB = 1024


def layer_norm(x, gamma, beta, eps=1e-6):
    mu = jnp.mean(x, axis=-1, keepdims=True)
    var = jnp.var(x, axis=-1, keepdims=True)
    return (x - mu) / jnp.sqrt(var + eps) * gamma + beta


def l2_normalize(x, eps=1e-12):
    return x / jnp.sqrt(jnp.maximum(jnp.sum(jnp.square(x), axis=-1, keepdims=True), eps))


def setup_inputs():
    rng = jax.random.key(0)
    ks = jax.random.split(rng, 8)
    query = jax.random.normal(ks[0], (BS, QLEN, INNER), jnp.float32)
    key = jax.random.normal(ks[1], (BS, KLEN, INNER), jnp.float32)
    qpe = jax.random.normal(ks[2], (BS, QLEN, INNER), jnp.float32)
    kpe = jax.random.normal(ks[3], (BS, KLEN, INNER), jnp.float32)
    wi = jax.random.normal(ks[4], (2 * INNER, INNER), jnp.float32) * np.sqrt(2.0 / (2 * INNER + INNER))
    dict_w = jax.random.normal(ks[5], (VOCAB, D_KV), jnp.float32) * np.sqrt(2.0 / (VOCAB + D_KV))
    wo = jax.random.normal(ks[6], (D_KV, D_KV), jnp.float32) * np.sqrt(2.0 / (D_KV + D_KV))
    vq_gamma = jnp.ones((D_KV,), jnp.float32)
    vq_beta = jnp.zeros((D_KV,), jnp.float32)
    ln_gamma = jnp.ones((D_KV,), jnp.float32)
    ln_beta = jnp.zeros((D_KV,), jnp.float32)
    return {
        'query': query, 'key': key,
        'q_position_embeddings': qpe, 'k_position_embeddings': kpe,
        'wi': wi, 'dict_w': dict_w, 'vq_gamma': vq_gamma, 'vq_beta': vq_beta,
        'wo': wo, 'ln_gamma': ln_gamma, 'ln_beta': ln_beta,
    }


def reference(query, key, q_position_embeddings, k_position_embeddings,
              wi, dict_w, vq_gamma, vq_beta, wo, ln_gamma, ln_beta):
    # training=False: dropout is identity, vq loss = 0
    q = query + q_position_embeddings
    k = key + k_position_embeddings
    q2 = jnp.concatenate([q, jnp.zeros_like(q)], axis=-1) @ wi  # [BS, QLEN, INNER]
    k2 = jnp.concatenate([jnp.zeros_like(k), k], axis=-1) @ wi  # [BS, KLEN, INNER]
    rep = q2[:, :, None, :] + k2[:, None, :, :]                 # [BS, QLEN, KLEN, INNER]
    rep = rep.reshape(BS, QLEN * KLEN, INNER)
    rep = rep.reshape(BS, QLEN * KLEN, N_HEADS, D_KV)
    y = rep.reshape(BS, QLEN * KLEN * N_HEADS, D_KV)
    # VectorQuantizer
    yn = l2_normalize(y)
    cn = l2_normalize(dict_w)
    sim = yn @ cn.T                                             # [BS, T, VOCAB]
    idx = jnp.argmax(sim, axis=-1)
    score = jnp.max(sim, axis=-1)
    z = jnp.take(dict_w, idx, axis=0)
    emb = jax.lax.stop_gradient(z - y) + y
    emb = layer_norm(emb, vq_gamma, vq_beta)
    emb = emb @ wo
    emb = emb.reshape(BS, QLEN, KLEN, N_HEADS, D_KV)
    score_r = score.reshape(BS, QLEN, KLEN, N_HEADS, 1)
    ids_r = idx.reshape(BS, QLEN, KLEN, N_HEADS, 1)
    r3_weighted = jnp.mean(emb * score_r, axis=2)               # [BS, QLEN, N_HEADS, D_KV]
    r3_weighted = jnp.transpose(r3_weighted, (0, 2, 1, 3))      # [BS, N_HEADS, QLEN, D_KV]
    r3_weighted = layer_norm(r3_weighted, ln_gamma, ln_beta)
    return (r3_weighted, ids_r, score_r, emb)

if __name__ == "__main__":
    import jax
    _d = setup_inputs()
    print(jax.jit(kernel)(*tuple(_d.values())))

</pallas_src>

<mosaic_0001>
#map = affine_map<(d0, d1) -> (0, 0)>
#map1 = affine_map<(d0, d1) -> (0)>
module attributes {stable_mosaic.version = 14 : i64} {
  func.func @_sc_gather_body(%arg0: i32, %arg1: i32, %arg2: memref<1024x128xf32, #tpu.memory_space<hbm>>, %arg3: memref<36864xi32, #tpu.memory_space<hbm>>, %arg4: memref<36864x128xf32, #tpu.memory_space<hbm>>, %arg5: memref<288xi32, #tpu.memory_space<vmem>>, %arg6: memref<288xi32, #tpu.memory_space<vmem>>, %arg7: memref<288xi32, #tpu.memory_space<vmem>>, %arg8: memref<288xi32, #tpu.memory_space<vmem>>, %arg9: memref<288x128xf32, #tpu.memory_space<vmem>>, %arg10: memref<288x128xf32, #tpu.memory_space<vmem>>, %arg11: memref<!tpu.dma_semaphore, #tpu.memory_space<semaphore_mem>>, %arg12: memref<!tpu.dma_semaphore, #tpu.memory_space<semaphore_mem>>) attributes {dimension_semantics = [#tpu.dimension_semantics<core_parallel>, #tpu.dimension_semantics<subcore_parallel>], iteration_bounds = array<i64: 2, 16>, scalar_prefetch = 0 : i64, scratch_operands = 8 : i64, tpu.core_type = #tpu.core_type<sc_vector_subcore>, window_params = [{transform_indices = #map}, {transform_indices = #map1}, {transform_indices = #map}]} {
    %mul3A = arith.constant 2 : i32
    %mul3A_0 = arith.muli %arg1, %mul3A : i32
    %add3A = arith.addi %mul3A_0, %arg0 : i32
    %mul3A_1 = arith.constant 1152 : i32
    %mul3A_2 = arith.muli %add3A, %mul3A_1 : i32
    "tpu.region"() ({
      %run_scoped3A = tpu.sem_alloc : memref<!tpu.dma_semaphore, #tpu.memory_space<semaphore_mem>>
      %dma_start3A_37 = tpu.memref_slice %arg3[%mul3A_2] : memref<36864xi32, #tpu.memory_space<hbm>> -> memref<288xi32, #tpu.memory_space<hbm>>
      %dma_start3A_38 = tpu.memref_slice %arg3[%mul3A_2] : memref<36864xi32, #tpu.memory_space<hbm>> -> memref<288xi32, #tpu.memory_space<hbm>>
      tpu.enqueue_dma source(%dma_start3A_38 : memref<288xi32, #tpu.memory_space<hbm>>) target(%arg5 : memref<288xi32, #tpu.memory_space<vmem>>) target_semaphore(%run_scoped3A : memref<!tpu.dma_semaphore, #tpu.memory_space<semaphore_mem>>)
      %dma_wait3A_39 = tpu.memref_slice %arg3[%mul3A_2] : memref<36864xi32, #tpu.memory_space<hbm>> -> memref<288xi32, #tpu.memory_space<hbm>>
      %dma_wait3A_40 = tpu.memref_slice %arg3[%mul3A_2] : memref<36864xi32, #tpu.memory_space<hbm>> -> memref<288xi32, #tpu.memory_space<hbm>>
      tpu.wait_dma2 semaphore(%run_scoped3A : memref<!tpu.dma_semaphore, #tpu.memory_space<semaphore_mem>>) src(%dma_wait3A_40 : memref<288xi32, #tpu.memory_space<hbm>>) dst(%arg5 : memref<288xi32, #tpu.memory_space<vmem>>)
      tpu.yield
    }) : () -> ()
    %add3A_3 = arith.constant 288 : i32
    %add3A_4 = arith.addi %mul3A_2, %add3A_3 : i32
    "tpu.region"() ({
      %run_scoped3A = tpu.sem_alloc : memref<!tpu.dma_semaphore, #tpu.memory_space<semaphore_mem>>
      %dma_start3A_37 = tpu.memref_slice %arg3[%add3A_4] : memref<36864xi32, #tpu.memory_space<hbm>> -> memref<288xi32, #tpu.memory_space<hbm>>
      %dma_start3A_38 = tpu.memref_slice %arg3[%add3A_4] : memref<36864xi32, #tpu.memory_space<hbm>> -> memref<288xi32, #tpu.memory_space<hbm>>
      tpu.enqueue_dma source(%dma_start3A_38 : memref<288xi32, #tpu.memory_space<hbm>>) target(%arg6 : memref<288xi32, #tpu.memory_space<vmem>>) target_semaphore(%run_scoped3A : memref<!tpu.dma_semaphore, #tpu.memory_space<semaphore_mem>>)
      %dma_wait3A_39 = tpu.memref_slice %arg3[%add3A_4] : memref<36864xi32, #tpu.memory_space<hbm>> -> memref<288xi32, #tpu.memory_space<hbm>>
      %dma_wait3A_40 = tpu.memref_slice %arg3[%add3A_4] : memref<36864xi32, #tpu.memory_space<hbm>> -> memref<288xi32, #tpu.memory_space<hbm>>
      tpu.wait_dma2 semaphore(%run_scoped3A : memref<!tpu.dma_semaphore, #tpu.memory_space<semaphore_mem>>) src(%dma_wait3A_40 : memref<288xi32, #tpu.memory_space<hbm>>) dst(%arg6 : memref<288xi32, #tpu.memory_space<vmem>>)
      tpu.yield
    }) : () -> ()
    %add3A_5 = arith.constant 576 : i32
    %add3A_6 = arith.addi %mul3A_2, %add3A_5 : i32
    "tpu.region"() ({
      %run_scoped3A = tpu.sem_alloc : memref<!tpu.dma_semaphore, #tpu.memory_space<semaphore_mem>>
      %dma_start3A_37 = tpu.memref_slice %arg3[%add3A_6] : memref<36864xi32, #tpu.memory_space<hbm>> -> memref<288xi32, #tpu.memory_space<hbm>>
      %dma_start3A_38 = tpu.memref_slice %arg3[%add3A_6] : memref<36864xi32, #tpu.memory_space<hbm>> -> memref<288xi32, #tpu.memory_space<hbm>>
      tpu.enqueue_dma source(%dma_start3A_38 : memref<288xi32, #tpu.memory_space<hbm>>) target(%arg7 : memref<288xi32, #tpu.memory_space<vmem>>) target_semaphore(%run_scoped3A : memref<!tpu.dma_semaphore, #tpu.memory_space<semaphore_mem>>)
      %dma_wait3A_39 = tpu.memref_slice %arg3[%add3A_6] : memref<36864xi32, #tpu.memory_space<hbm>> -> memref<288xi32, #tpu.memory_space<hbm>>
      %dma_wait3A_40 = tpu.memref_slice %arg3[%add3A_6] : memref<36864xi32, #tpu.memory_space<hbm>> -> memref<288xi32, #tpu.memory_space<hbm>>
      tpu.wait_dma2 semaphore(%run_scoped3A : memref<!tpu.dma_semaphore, #tpu.memory_space<semaphore_mem>>) src(%dma_wait3A_40 : memref<288xi32, #tpu.memory_space<hbm>>) dst(%arg7 : memref<288xi32, #tpu.memory_space<vmem>>)
      tpu.yield
    }) : () -> ()
    %add3A_7 = arith.constant 864 : i32
    %add3A_8 = arith.addi %mul3A_2, %add3A_7 : i32
    "tpu.region"() ({
      %run_scoped3A = tpu.sem_alloc : memref<!tpu.dma_semaphore, #tpu.memory_space<semaphore_mem>>
      %dma_start3A_37 = tpu.memref_slice %arg3[%add3A_8] : memref<36864xi32, #tpu.memory_space<hbm>> -> memref<288xi32, #tpu.memory_space<hbm>>
      %dma_start3A_38 = tpu.memref_slice %arg3[%add3A_8] : memref<36864xi32, #tpu.memory_space<hbm>> -> memref<288xi32, #tpu.memory_space<hbm>>
      tpu.enqueue_dma source(%dma_start3A_38 : memref<288xi32, #tpu.memory_space<hbm>>) target(%arg8 : memref<288xi32, #tpu.memory_space<vmem>>) target_semaphore(%run_scoped3A : memref<!tpu.dma_semaphore, #tpu.memory_space<semaphore_mem>>)
      %dma_wait3A_39 = tpu.memref_slice %arg3[%add3A_8] : memref<36864xi32, #tpu.memory_space<hbm>> -> memref<288xi32, #tpu.memory_space<hbm>>
      %dma_wait3A_40 = tpu.memref_slice %arg3[%add3A_8] : memref<36864xi32, #tpu.memory_space<hbm>> -> memref<288xi32, #tpu.memory_space<hbm>>
      tpu.wait_dma2 semaphore(%run_scoped3A : memref<!tpu.dma_semaphore, #tpu.memory_space<semaphore_mem>>) src(%dma_wait3A_40 : memref<288xi32, #tpu.memory_space<hbm>>) dst(%arg8 : memref<288xi32, #tpu.memory_space<vmem>>)
      tpu.yield
    }) : () -> ()
    %dma_start3A = arith.constant 0 : i32
    %dma_start3A_9 = arith.constant 0 : i32
    %dma_start3A_10 = tpu.memref_slice %arg2[%dma_start3A, %dma_start3A_9] : memref<1024x128xf32, #tpu.memory_space<hbm>> -> memref<1024x128xf32, #tpu.memory_space<hbm>>
    tpu.enqueue_indirect_dma source(%dma_start3A_10 : memref<1024x128xf32, #tpu.memory_space<hbm>>) target(%arg9 : memref<288x128xf32, #tpu.memory_space<vmem>>) offsets(%arg5 : memref<288xi32, #tpu.memory_space<vmem>>) semaphore(%arg11 : memref<!tpu.dma_semaphore, #tpu.memory_space<semaphore_mem>>)
    %dma_start3A_11 = arith.constant 0 : i32
    %dma_start3A_12 = arith.constant 0 : i32
    %dma_start3A_13 = tpu.memref_slice %arg2[%dma_start3A_11, %dma_start3A_12] : memref<1024x128xf32, #tpu.memory_space<hbm>> -> memref<1024x128xf32, #tpu.memory_space<hbm>>
    tpu.enqueue_indirect_dma source(%dma_start3A_13 : memref<1024x128xf32, #tpu.memory_space<hbm>>) target(%arg10 : memref<288x128xf32, #tpu.memory_space<vmem>>) offsets(%arg6 : memref<288xi32, #tpu.memory_space<vmem>>) semaphore(%arg12 : memref<!tpu.dma_semaphore, #tpu.memory_space<semaphore_mem>>)
    %dma_wait3A = arith.constant 0 : i32
    %dma_wait3A_14 = arith.constant 0 : i32
    %dma_wait3A_15 = tpu.memref_slice %arg2[%dma_wait3A, %dma_wait3A_14] : memref<1024x128xf32, #tpu.memory_space<hbm>> -> memref<1024x128xf32, #tpu.memory_space<hbm>>
    tpu.wait_indirect_dma semaphore(%arg11 : memref<!tpu.dma_semaphore, #tpu.memory_space<semaphore_mem>>) src(%dma_wait3A_15 : memref<1024x128xf32, #tpu.memory_space<hbm>>) dst(%arg9 : memref<288x128xf32, #tpu.memory_space<vmem>>)
    "tpu.region"() ({
      %run_scoped3A = tpu.sem_alloc : memref<!tpu.dma_semaphore, #tpu.memory_space<semaphore_mem>>
      %dma_start3A_37 = arith.constant 0 : i32
      %dma_start3A_38 = tpu.memref_slice %arg4[%mul3A_2, %dma_start3A_37] : memref<36864x128xf32, #tpu.memory_space<hbm>> -> memref<288x128xf32, #tpu.memory_space<hbm>>
      %dma_start3A_39 = arith.constant 0 : i32
      %dma_start3A_40 = tpu.memref_slice %arg4[%mul3A_2, %dma_start3A_39] : memref<36864x128xf32, #tpu.memory_space<hbm>> -> memref<288x128xf32, #tpu.memory_space<hbm>>
      tpu.enqueue_dma source(%arg9 : memref<288x128xf32, #tpu.memory_space<vmem>>) target(%dma_start3A_40 : memref<288x128xf32, #tpu.memory_space<hbm>>) target_semaphore(%run_scoped3A : memref<!tpu.dma_semaphore, #tpu.memory_space<semaphore_mem>>)
      %dma_wait3A_41 = arith.constant 0 : i32
      %dma_wait3A_42 = tpu.memref_slice %arg4[%mul3A_2, %dma_wait3A_41] : memref<36864x128xf32, #tpu.memory_space<hbm>> -> memref<288x128xf32, #tpu.memory_space<hbm>>
      %dma_wait3A_43 = arith.constant 0 : i32
      %dma_wait3A_44 = tpu.memref_slice %arg4[%mul3A_2, %dma_wait3A_43] : memref<36864x128xf32, #tpu.memory_space<hbm>> -> memref<288x128xf32, #tpu.memory_space<hbm>>
      tpu.wait_dma2 semaphore(%run_scoped3A : memref<!tpu.dma_semaphore, #tpu.memory_space<semaphore_mem>>) src(%arg9 : memref<288x128xf32, #tpu.memory_space<vmem>>) dst(%dma_wait3A_44 : memref<288x128xf32, #tpu.memory_space<hbm>>)
      tpu.yield
    }) : () -> ()
    %dma_start3A_16 = arith.constant 0 : i32
    %dma_start3A_17 = arith.constant 0 : i32
    %dma_start3A_18 = tpu.memref_slice %arg2[%dma_start3A_16, %dma_start3A_17] : memref<1024x128xf32, #tpu.memory_space<hbm>> -> memref<1024x128xf32, #tpu.memory_space<hbm>>
    tpu.enqueue_indirect_dma source(%dma_start3A_18 : memref<1024x128xf32, #tpu.memory_space<hbm>>) target(%arg9 : memref<288x128xf32, #tpu.memory_space<vmem>>) offsets(%arg7 : memref<288xi32, #tpu.memory_space<vmem>>) semaphore(%arg11 : memref<!tpu.dma_semaphore, #tpu.memory_space<semaphore_mem>>)
    %dma_wait3A_19 = arith.constant 0 : i32
    %dma_wait3A_20 = arith.constant 0 : i32
    %dma_wait3A_21 = tpu.memref_slice %arg2[%dma_wait3A_19, %dma_wait3A_20] : memref<1024x128xf32, #tpu.memory_space<hbm>> -> memref<1024x128xf32, #tpu.memory_space<hbm>>
    tpu.wait_indirect_dma semaphore(%arg12 : memref<!tpu.dma_semaphore, #tpu.memory_space<semaphore_mem>>) src(%dma_wait3A_21 : memref<1024x128xf32, #tpu.memory_space<hbm>>) dst(%arg10 : memref<288x128xf32, #tpu.memory_space<vmem>>)
    %add3A_22 = arith.constant 288 : i32
    %add3A_23 = arith.addi %mul3A_2, %add3A_22 : i32
    "tpu.region"() ({
      %run_scoped3A = tpu.sem_alloc : memref<!tpu.dma_semaphore, #tpu.memory_space<semaphore_mem>>
      %dma_start3A_37 = arith.constant 0 : i32
      %dma_start3A_38 = tpu.memref_slice %arg4[%add3A_23, %dma_start3A_37] : memref<36864x128xf32, #tpu.memory_space<hbm>> -> memref<288x128xf32, #tpu.memory_space<hbm>>
      %dma_start3A_39 = arith.constant 0 : i32
      %dma_start3A_40 = tpu.memref_slice %arg4[%add3A_23, %dma_start3A_39] : memref<36864x128xf32, #tpu.memory_space<hbm>> -> memref<288x128xf32, #tpu.memory_space<hbm>>
      tpu.enqueue_dma source(%arg10 : memref<288x128xf32, #tpu.memory_space<vmem>>) target(%dma_start3A_40 : memref<288x128xf32, #tpu.memory_space<hbm>>) target_semaphore(%run_scoped3A : memref<!tpu.dma_semaphore, #tpu.memory_space<semaphore_mem>>)
      %dma_wait3A_41 = arith.constant 0 : i32
      %dma_wait3A_42 = tpu.memref_slice %arg4[%add3A_23, %dma_wait3A_41] : memref<36864x128xf32, #tpu.memory_space<hbm>> -> memref<288x128xf32, #tpu.memory_space<hbm>>
      %dma_wait3A_43 = arith.constant 0 : i32
      %dma_wait3A_44 = tpu.memref_slice %arg4[%add3A_23, %dma_wait3A_43] : memref<36864x128xf32, #tpu.memory_space<hbm>> -> memref<288x128xf32, #tpu.memory_space<hbm>>
      tpu.wait_dma2 semaphore(%run_scoped3A : memref<!tpu.dma_semaphore, #tpu.memory_space<semaphore_mem>>) src(%arg10 : memref<288x128xf32, #tpu.memory_space<vmem>>) dst(%dma_wait3A_44 : memref<288x128xf32, #tpu.memory_space<hbm>>)
      tpu.yield
    }) : () -> ()
    %dma_start3A_24 = arith.constant 0 : i32
    %dma_start3A_25 = arith.constant 0 : i32
    %dma_start3A_26 = tpu.memref_slice %arg2[%dma_start3A_24, %dma_start3A_25] : memref<1024x128xf32, #tpu.memory_space<hbm>> -> memref<1024x128xf32, #tpu.memory_space<hbm>>
    tpu.enqueue_indirect_dma source(%dma_start3A_26 : memref<1024x128xf32, #tpu.memory_space<hbm>>) target(%arg10 : memref<288x128xf32, #tpu.memory_space<vmem>>) offsets(%arg8 : memref<288xi32, #tpu.memory_space<vmem>>) semaphore(%arg12 : memref<!tpu.dma_semaphore, #tpu.memory_space<semaphore_mem>>)
    %dma_wait3A_27 = arith.constant 0 : i32
    %dma_wait3A_28 = arith.constant 0 : i32
    %dma_wait3A_29 = tpu.memref_slice %arg2[%dma_wait3A_27, %dma_wait3A_28] : memref<1024x128xf32, #tpu.memory_space<hbm>> -> memref<1024x128xf32, #tpu.memory_space<hbm>>
    tpu.wait_indirect_dma semaphore(%arg11 : memref<!tpu.dma_semaphore, #tpu.memory_space<semaphore_mem>>) src(%dma_wait3A_29 : memref<1024x128xf32, #tpu.memory_space<hbm>>) dst(%arg9 : memref<288x128xf32, #tpu.memory_space<vmem>>)
    %add3A_30 = arith.constant 576 : i32
    %add3A_31 = arith.addi %mul3A_2, %add3A_30 : i32
    "tpu.region"() ({
      %run_scoped3A = tpu.sem_alloc : memref<!tpu.dma_semaphore, #tpu.memory_space<semaphore_mem>>
      %dma_start3A_37 = arith.constant 0 : i32
      %dma_start3A_38 = tpu.memref_slice %arg4[%add3A_31, %dma_start3A_37] : memref<36864x128xf32, #tpu.memory_space<hbm>> -> memref<288x128xf32, #tpu.memory_space<hbm>>
      %dma_start3A_39 = arith.constant 0 : i32
      %dma_start3A_40 = tpu.memref_slice %arg4[%add3A_31, %dma_start3A_39] : memref<36864x128xf32, #tpu.memory_space<hbm>> -> memref<288x128xf32, #tpu.memory_space<hbm>>
      tpu.enqueue_dma source(%arg9 : memref<288x128xf32, #tpu.memory_space<vmem>>) target(%dma_start3A_40 : memref<288x128xf32, #tpu.memory_space<hbm>>) target_semaphore(%run_scoped3A : memref<!tpu.dma_semaphore, #tpu.memory_space<semaphore_mem>>)
      %dma_wait3A_41 = arith.constant 0 : i32
      %dma_wait3A_42 = tpu.memref_slice %arg4[%add3A_31, %dma_wait3A_41] : memref<36864x128xf32, #tpu.memory_space<hbm>> -> memref<288x128xf32, #tpu.memory_space<hbm>>
      %dma_wait3A_43 = arith.constant 0 : i32
      %dma_wait3A_44 = tpu.memref_slice %arg4[%add3A_31, %dma_wait3A_43] : memref<36864x128xf32, #tpu.memory_space<hbm>> -> memref<288x128xf32, #tpu.memory_space<hbm>>
      tpu.wait_dma2 semaphore(%run_scoped3A : memref<!tpu.dma_semaphore, #tpu.memory_space<semaphore_mem>>) src(%arg9 : memref<288x128xf32, #tpu.memory_space<vmem>>) dst(%dma_wait3A_44 : memref<288x128xf32, #tpu.memory_space<hbm>>)
      tpu.yield
    }) : () -> ()
    %dma_wait3A_32 = arith.constant 0 : i32
    %dma_wait3A_33 = arith.constant 0 : i32
    %dma_wait3A_34 = tpu.memref_slice %arg2[%dma_wait3A_32, %dma_wait3A_33] : memref<1024x128xf32, #tpu.memory_space<hbm>> -> memref<1024x128xf32, #tpu.memory_space<hbm>>
    tpu.wait_indirect_dma semaphore(%arg12 : memref<!tpu.dma_semaphore, #tpu.memory_space<semaphore_mem>>) src(%dma_wait3A_34 : memref<1024x128xf32, #tpu.memory_space<hbm>>) dst(%arg10 : memref<288x128xf32, #tpu.memory_space<vmem>>)
    %add3A_35 = arith.constant 864 : i32
    %add3A_36 = arith.addi %mul3A_2, %add3A_35 : i32
    "tpu.region"() ({
      %run_scoped3A = tpu.sem_alloc : memref<!tpu.dma_semaphore, #tpu.memory_space<semaphore_mem>>
      %dma_start3A_37 = arith.constant 0 : i32
      %dma_start3A_38 = tpu.memref_slice %arg4[%add3A_36, %dma_start3A_37] : memref<36864x128xf32, #tpu.memory_space<hbm>> -> memref<288x128xf32, #tpu.memory_space<hbm>>
      %dma_start3A_39 = arith.constant 0 : i32
      %dma_start3A_40 = tpu.memref_slice %arg4[%add3A_36, %dma_start3A_39] : memref<36864x128xf32, #tpu.memory_space<hbm>> -> memref<288x128xf32, #tpu.memory_space<hbm>>
      tpu.enqueue_dma source(%arg10 : memref<288x128xf32, #tpu.memory_space<vmem>>) target(%dma_start3A_40 : memref<288x128xf32, #tpu.memory_space<hbm>>) target_semaphore(%run_scoped3A : memref<!tpu.dma_semaphore, #tpu.memory_space<semaphore_mem>>)
      %dma_wait3A_41 = arith.constant 0 : i32
      %dma_wait3A_42 = tpu.memref_slice %arg4[%add3A_36, %dma_wait3A_41] : memref<36864x128xf32, #tpu.memory_space<hbm>> -> memref<288x128xf32, #tpu.memory_space<hbm>>
      %dma_wait3A_43 = arith.constant 0 : i32
      %dma_wait3A_44 = tpu.memref_slice %arg4[%add3A_36, %dma_wait3A_43] : memref<36864x128xf32, #tpu.memory_space<hbm>> -> memref<288x128xf32, #tpu.memory_space<hbm>>
      tpu.wait_dma2 semaphore(%run_scoped3A : memref<!tpu.dma_semaphore, #tpu.memory_space<semaphore_mem>>) src(%arg10 : memref<288x128xf32, #tpu.memory_space<vmem>>) dst(%dma_wait3A_44 : memref<288x128xf32, #tpu.memory_space<hbm>>)
      tpu.yield
    }) : () -> ()
    return
  }
}

module attributes {stable_mosaic.version = 14 : i64} {
  func.func @_prep_body(%arg0: memref<1024x64xf32, #tpu.memory_space<vmem>>, %arg1: memref<1x64xf32, #tpu.memory_space<vmem>>, %arg2: memref<1x64xf32, #tpu.memory_space<vmem>>, %arg3: memref<64x64xf32, #tpu.memory_space<vmem>>, %arg4: memref<1024x64xf32, #tpu.memory_space<vmem>>, %arg5: memref<1024x128xf32, #tpu.memory_space<vmem>>) attributes {dimension_semantics = [], scalar_prefetch = 0 : i64, scratch_operands = 0 : i64, tpu.core_type = #tpu.core_type<tc>} {
    %get3A = arith.constant 0 : index
    %get3A_0 = arith.constant 0 : index
    %get3A_1 = vector.load %arg0[%get3A, %get3A_0] : memref<1024x64xf32, #tpu.memory_space<vmem>>, vector<1024x64xf32>
    %mul3A = arith.mulf %get3A_1, %get3A_1 : vector<1024x64xf32>
    %reduce_sum3A = arith.constant dense<0.000000e+00> : vector<1024xf32>
    %reduce_sum3A_2 = vector.multi_reduction <add>, %mul3A, %reduce_sum3A [1] : vector<1024x64xf32> to vector<1024xf32>
    %broadcast_in_dim3A = vector.shape_cast %reduce_sum3A_2 : vector<1024xf32> to vector<1024x1xf32>
    %max3A = arith.constant 9.99999996E-13 : f32
    %max3A_3 = vector.broadcast %max3A : f32 to vector<1024x1xf32>
    %max3A_4 = arith.maximumf %broadcast_in_dim3A, %max3A_3 : vector<1024x1xf32>
    %sqrt3A = math.sqrt %max3A_4 : vector<1024x1xf32>
    %div3A = vector.broadcast %sqrt3A : vector<1024x1xf32> to vector<1024x64xf32>
    %div3A_5 = arith.divf %get3A_1, %div3A : vector<1024x64xf32>
    %swap3A = arith.constant 0 : index
    %swap3A_6 = arith.constant 0 : index
    %swap3A_7 = vector.load %arg4[%swap3A, %swap3A_6] : memref<1024x64xf32, #tpu.memory_space<vmem>>, vector<1024x64xf32>
    tpu.vector_store %arg4[%swap3A, %swap3A_6], %div3A_5 {strides = array<i32>} : memref<1024x64xf32, #tpu.memory_space<vmem>>, vector<1024x64xf32>,
    %reduce_sum3A_8 = arith.constant dense<0.000000e+00> : vector<1024xf32>
    %reduce_sum3A_9 = vector.multi_reduction <add>, %get3A_1, %reduce_sum3A_8 [1] : vector<1024x64xf32> to vector<1024xf32>
    %broadcast_in_dim3A_10 = vector.shape_cast %reduce_sum3A_9 : vector<1024xf32> to vector<1024x1xf32>
    %div3A_11 = arith.constant 6.400000e+01 : f32
    %div3A_12 = vector.broadcast %div3A_11 : f32 to vector<1024x1xf32>
    %div3A_13 = arith.divf %broadcast_in_dim3A_10, %div3A_12 : vector<1024x1xf32>
    %sub3A = vector.broadcast %div3A_13 : vector<1024x1xf32> to vector<1024x64xf32>
    %sub3A_14 = arith.subf %get3A_1, %sub3A : vector<1024x64xf32>
    %square3A = arith.mulf %sub3A_14, %sub3A_14 : vector<1024x64xf32>
    %reduce_sum3A_15 = arith.constant dense<0.000000e+00> : vector<1024xf32>
    %reduce_sum3A_16 = vector.multi_reduction <add>, %square3A, %reduce_sum3A_15 [1] : vector<1024x64xf32> to vector<1024xf32>
    %broadcast_in_dim3A_17 = vector.shape_cast %reduce_sum3A_16 : vector<1024xf32> to vector<1024x1xf32>
    %div3A_18 = arith.constant 6.400000e+01 : f32
    %div3A_19 = vector.broadcast %div3A_18 : f32 to vector<1024x1xf32>
    %div3A_20 = arith.divf %broadcast_in_dim3A_17, %div3A_19 : vector<1024x1xf32>
    %sub3A_21 = vector.broadcast %div3A_13 : vector<1024x1xf32> to vector<1024x64xf32>
    %sub3A_22 = arith.subf %get3A_1, %sub3A_21 : vector<1024x64xf32>
    %add3A = arith.constant 9.99999997E-7 : f32
    %add3A_23 = vector.broadcast %add3A : f32 to vector<1024x1xf32>
    %add3A_24 = arith.addf %div3A_20, %add3A_23 : vector<1024x1xf32>
    %sqrt3A_25 = math.sqrt %add3A_24 : vector<1024x1xf32>
    %div3A_26 = vector.broadcast %sqrt3A_25 : vector<1024x1xf32> to vector<1024x64xf32>
    %div3A_27 = arith.divf %sub3A_22, %div3A_26 : vector<1024x64xf32>
    %get3A_28 = arith.constant 0 : index
    %get3A_29 = arith.constant 0 : index
    %get3A_30 = vector.load %arg1[%get3A_28, %get3A_29] : memref<1x64xf32, #tpu.memory_space<vmem>>, vector<1x64xf32>
    %get3A_31 = vector.shape_cast %get3A_30 : vector<1x64xf32> to vector<64xf32>
    %broadcast_in_dim3A_32 = vector.shape_cast %get3A_31 : vector<64xf32> to vector<1x64xf32>
    %mul3A_33 = vector.broadcast %broadcast_in_dim3A_32 : vector<1x64xf32> to vector<1024x64xf32>
    %mul3A_34 = arith.mulf %div3A_27, %mul3A_33 : vector<1024x64xf32>
    %get3A_35 = arith.constant 0 : index
    %get3A_36 = arith.constant 0 : index
    %get3A_37 = vector.load %arg2[%get3A_35, %get3A_36] : memref<1x64xf32, #tpu.memory_space<vmem>>, vector<1x64xf32>
    %get3A_38 = vector.shape_cast %get3A_37 : vector<1x64xf32> to vector<64xf32>
    %broadcast_in_dim3A_39 = vector.shape_cast %get3A_38 : vector<64xf32> to vector<1x64xf32>
    %add3A_40 = vector.broadcast %broadcast_in_dim3A_39 : vector<1x64xf32> to vector<1024x64xf32>
    %add3A_41 = arith.addf %mul3A_34, %add3A_40 : vector<1024x64xf32>
    %get3A_42 = arith.constant 0 : index
    %get3A_43 = arith.constant 0 : index
    %get3A_44 = vector.load %arg3[%get3A_42, %get3A_43] : memref<64x64xf32, #tpu.memory_space<vmem>>, vector<64x64xf32>
    %dot_general3A = arith.constant dense<0.000000e+00> : vector<1024x64xf32>
    %dot_general3A_45 = tpu.matmul %add3A_41, %get3A_44, %dot_general3A {dimension_numbers = #tpu.dot_dimension_numbers<[1], [0], [0], [1], [0, 0, 1, 1], [], []>, transpose_lhs_hint = false} : vector<1024x64xf32>, vector<64x64xf32>, vector<1024x64xf32> -> vector<1024x64xf32>
    %swap3A_46 = arith.constant 0 : index
    %swap3A_47 = arith.constant 0 : index
    %swap3A_48 = vector.load %arg5[%swap3A_46, %swap3A_47] : memref<1024x128xf32, #tpu.memory_space<vmem>>, vector<1024x64xf32>
    tpu.vector_store %arg5[%swap3A_46, %swap3A_47], %dot_general3A_45 {strides = array<i32>} : memref<1024x128xf32, #tpu.memory_space<vmem>>, vector<1024x64xf32>,
    %broadcast_in_dim3A_49 = arith.constant 0.000000e+00 : f32
    %broadcast_in_dim3A_50 = vector.broadcast %broadcast_in_dim3A_49 : f32 to vector<1024x64xf32>
    %swap3A_51 = arith.constant 0 : index
    %swap3A_52 = arith.constant 64 : index
    %swap3A_53 = vector.load %arg5[%swap3A_51, %swap3A_52] : memref<1024x128xf32, #tpu.memory_space<vmem>>, vector<1024x64xf32>
    tpu.vector_store %arg5[%swap3A_51, %swap3A_52], %broadcast_in_dim3A_50 {strides = array<i32>} : memref<1024x128xf32, #tpu.memory_space<vmem>>, vector<1024x64xf32>,
    return
  }
}

module attributes {stable_mosaic.version = 14 : i64} {
  func.func @_vq_body(%arg0: i32, %arg1: i32, %arg2: memref<1x48x512xf32, #tpu.memory_space<vmem>>, %arg3: memref<1x48x512xf32, #tpu.memory_space<vmem>>, %arg4: memref<1x48x512xf32, #tpu.memory_space<vmem>>, %arg5: memref<1x48x512xf32, #tpu.memory_space<vmem>>, %arg6: memref<1x1024x64xf32, #tpu.memory_space<vmem>>, %arg7: memref<1024x64xf32, #tpu.memory_space<vmem>>, %arg8: memref<1024x128xf32, #tpu.memory_space<vmem>>, %arg9: memref<48x2304xf32, #tpu.memory_space<vmem>>, %arg10: memref<1x64xf32, #tpu.memory_space<vmem>>, %arg11: memref<1x64xf32, #tpu.memory_space<vmem>>, %arg12: memref<1x1x1x2304xi32, #tpu.memory_space<vmem>>, %arg13: memref<1x1x1x2304xf32, #tpu.memory_space<vmem>>, %arg14: memref<1x1x48x64xf32, #tpu.memory_space<vmem>>) attributes {dimension_semantics = [#tpu.dimension_semantics<arbitrary>, #tpu.dimension_semantics<arbitrary>], iteration_bounds = array<i64: 2, 8>, scalar_prefetch = 0 : i64, scratch_operands = 0 : i64, tpu.core_type = #tpu.core_type<tc>, window_params = [{transform_indices = @transform_0, window_bounds = array<i64: 1, 48, 512>}, {transform_indices = @transform_1, window_bounds = array<i64: 1, 48, 512>}, {transform_indices = @transform_2, window_bounds = array<i64: 1, 48, 512>}, {transform_indices = @transform_3, window_bounds = array<i64: 1, 48, 512>}, {transform_indices = @transform_4, window_bounds = array<i64: 1, 1024, 64>}, {pipeline_mode = #tpu.pipeline_mode<synchronous>, transform_indices = @transform_5, window_bounds = array<i64: 1024, 64>}, {pipeline_mode = #tpu.pipeline_mode<synchronous>, transform_indices = @transform_6, window_bounds = array<i64: 1024, 128>}, {pipeline_mode = #tpu.pipeline_mode<synchronous>, transform_indices = @transform_7, window_bounds = array<i64: 48, 2304>}, {pipeline_mode = #tpu.pipeline_mode<synchronous>, transform_indices = @transform_8, window_bounds = array<i64: 1, 64>}, {pipeline_mode = #tpu.pipeline_mode<synchronous>, transform_indices = @transform_9, window_bounds = array<i64: 1, 64>}, {transform_indices = @transform_10, window_bounds = array<i64: 1, 1, 1, 2304>}, {transform_indices = @transform_11, window_bounds = array<i64: 1, 1, 1, 2304>}, {transform_indices = @transform_12, window_bounds = array<i64: 1, 1, 48, 64>}]} {
    %get3A = arith.constant 0 : index
    %get3A_0 = arith.constant 0 : index
    %get3A_1 = arith.constant 0 : index
    %get3A_2 = vector.load %arg2[%get3A, %get3A_0, %get3A_1] : memref<1x48x512xf32, #tpu.memory_space<vmem>>, vector<1x48x512xf32>
    %get3A_3 = vector.shape_cast %get3A_2 : vector<1x48x512xf32> to vector<48x512xf32>
    %get3A_4 = arith.constant 0 : index
    %get3A_5 = arith.constant 0 : index
    %get3A_6 = arith.constant 0 : index
    %get3A_7 = vector.load %arg3[%get3A_4, %get3A_5, %get3A_6] : memref<1x48x512xf32, #tpu.memory_space<vmem>>, vector<1x48x512xf32>
    %get3A_8 = vector.shape_cast %get3A_7 : vector<1x48x512xf32> to vector<48x512xf32>
    %add3A = arith.addf %get3A_3, %get3A_8 : vector<48x512xf32>
    %get3A_9 = arith.constant 0 : index
    %get3A_10 = arith.constant 0 : index
    %get3A_11 = arith.constant 0 : index
    %get3A_12 = vector.load %arg4[%get3A_9, %get3A_10, %get3A_11] : memref<1x48x512xf32, #tpu.memory_space<vmem>>, vector<1x48x512xf32>
    %get3A_13 = vector.shape_cast %get3A_12 : vector<1x48x512xf32> to vector<48x512xf32>
    %get3A_14 = arith.constant 0 : index
    %get3A_15 = arith.constant 0 : index
    %get3A_16 = arith.constant 0 : index
    %get3A_17 = vector.load %arg5[%get3A_14, %get3A_15, %get3A_16] : memref<1x48x512xf32, #tpu.memory_space<vmem>>, vector<1x48x512xf32>
    %get3A_18 = vector.shape_cast %get3A_17 : vector<1x48x512xf32> to vector<48x512xf32>
    %add3A_19 = arith.addf %get3A_13, %get3A_18 : vector<48x512xf32>
    %get3A_20 = arith.constant 0 : index
    %get3A_21 = arith.constant 0 : index
    %get3A_22 = arith.constant 0 : index
    %get3A_23 = vector.load %arg6[%get3A_20, %get3A_21, %get3A_22] : memref<1x1024x64xf32, #tpu.memory_space<vmem>>, vector<1x512x64xf32>
    %get3A_24 = vector.shape_cast %get3A_23 : vector<1x512x64xf32> to vector<512x64xf32>
    %get3A_25 = arith.constant 0 : index
    %get3A_26 = arith.constant 512 : index
    %get3A_27 = arith.constant 0 : index
    %get3A_28 = vector.load %arg6[%get3A_25, %get3A_26, %get3A_27] : memref<1x1024x64xf32, #tpu.memory_space<vmem>>, vector<1x512x64xf32>
    %get3A_29 = vector.shape_cast %get3A_28 : vector<1x512x64xf32> to vector<512x64xf32>
    %dot_general3A = arith.constant dense<0.000000e+00> : vector<48x64xf32>
    %dot_general3A_30 = tpu.matmul %add3A, %get3A_24, %dot_general3A {dimension_numbers = #tpu.dot_dimension_numbers<[1], [0], [0], [1], [0, 0, 1, 1], [], []>, transpose_lhs_hint = false} : vector<48x512xf32>, vector<512x64xf32>, vector<48x64xf32> -> vector<48x64xf32>
    %dot_general3A_31 = arith.constant dense<0.000000e+00> : vector<48x64xf32>
    %dot_general3A_32 = tpu.matmul %add3A_19, %get3A_29, %dot_general3A_31 {dimension_numbers = #tpu.dot_dimension_numbers<[1], [0], [0], [1], [0, 0, 1, 1], [], []>, transpose_lhs_hint = false} : vector<48x512xf32>, vector<512x64xf32>, vector<48x64xf32> -> vector<48x64xf32>
    %broadcast_in_dim3A = vector.shape_cast %dot_general3A_30 : vector<48x64xf32> to vector<48x1x64xf32>
    %broadcast_in_dim3A_33 = vector.shape_cast %dot_general3A_32 : vector<48x64xf32> to vector<1x48x64xf32>
    %add3A_34 = vector.broadcast %broadcast_in_dim3A : vector<48x1x64xf32> to vector<48x48x64xf32>
    %add3A_35 = vector.broadcast %broadcast_in_dim3A_33 : vector<1x48x64xf32> to vector<48x48x64xf32>
    %add3A_36 = arith.addf %add3A_34, %add3A_35 : vector<48x48x64xf32>
    %reshape3A = vector.shape_cast %add3A_36 : vector<48x48x64xf32> to vector<2304x64xf32>
    %mul3A = arith.mulf %reshape3A, %reshape3A : vector<2304x64xf32>
    %reduce_sum3A = arith.constant dense<0.000000e+00> : vector<2304xf32>
    %reduce_sum3A_37 = vector.multi_reduction <add>, %mul3A, %reduce_sum3A [1] : vector<2304x64xf32> to vector<2304xf32>
    %broadcast_in_dim3A_38 = vector.shape_cast %reduce_sum3A_37 : vector<2304xf32> to vector<2304x1xf32>
    %max3A = arith.constant 9.99999996E-13 : f32
    %max3A_39 = vector.broadcast %max3A : f32 to vector<2304x1xf32>
    %max3A_40 = arith.maximumf %broadcast_in_dim3A_38, %max3A_39 : vector<2304x1xf32>
    %sqrt3A = math.sqrt %max3A_40 : vector<2304x1xf32>
    %div3A = vector.broadcast %sqrt3A : vector<2304x1xf32> to vector<2304x64xf32>
    %div3A_41 = arith.divf %reshape3A, %div3A : vector<2304x64xf32>
    %get3A_42 = arith.constant 0 : index
    %get3A_43 = arith.constant 0 : index
    %get3A_44 = vector.load %arg7[%get3A_42, %get3A_43] : memref<1024x64xf32, #tpu.memory_space<vmem>>, vector<1024x64xf32>
    %dot_general3A_45 = arith.constant dense<0.000000e+00> : vector<1024x2304xf32>
    %dot_general3A_46 = tpu.matmul %get3A_44, %div3A_41, %dot_general3A_45 {dimension_numbers = #tpu.dot_dimension_numbers<[1], [1], [0], [0], [0, 0, 1, 0], [], []>, transpose_lhs_hint = false} : vector<1024x64xf32>, vector<2304x64xf32>, vector<1024x2304xf32> -> vector<1024x2304xf32>
    %reduce_max3A = arith.constant dense<0xFF800000> : vector<2304xf32>
    %reduce_max3A_47 = vector.multi_reduction <maximumf>, %dot_general3A_46, %reduce_max3A [0] : vector<1024x2304xf32> to vector<2304xf32>
    %broadcast_in_dim3A_48 = vector.shape_cast %reduce_max3A_47 : vector<2304xf32> to vector<1x2304xf32>
    %eq3A = vector.broadcast %broadcast_in_dim3A_48 : vector<1x2304xf32> to vector<1024x2304xf32>
    %eq3A_49 = arith.cmpf oeq, %dot_general3A_46, %eq3A : vector<1024x2304xf32>
    %iota3A = tpu.iota {dimensions = array<i32: 0>} : vector<1024x2304xi32>
    %jit3A = arith.constant 1024 : i32
    %broadcast_in_dim3A_50 = vector.broadcast %jit3A : i32 to vector<1024x2304xi32>
    %select_n3A = arith.select %eq3A_49, %iota3A, %broadcast_in_dim3A_50 : vector<1024x2304xi1>, vector<1024x2304xi32>
    %reduce_min3A = arith.constant dense<2147483647> : vector<2304xi32>
    %reduce_min3A_51 = vector.multi_reduction <minsi>, %select_n3A, %reduce_min3A [0] : vector<1024x2304xi32> to vector<2304xi32>
    %broadcast_in_dim3A_52 = vector.shape_cast %reduce_min3A_51 : vector<2304xi32> to vector<1x2304xi32>
    %jit3A_53 = arith.constant 0.000000e+00 : f32
    %broadcast_in_dim3A_54 = vector.broadcast %jit3A_53 : f32 to vector<1024x2304xf32>
    %select_n3A_55 = arith.select %eq3A_49, %dot_general3A_46, %broadcast_in_dim3A_54 : vector<1024x2304xi1>, vector<1024x2304xf32>
    %swap3A = arith.constant 0 : index
    %swap3A_56 = arith.constant 0 : index
    %swap3A_57 = arith.constant 0 : index
    %swap3A_58 = arith.constant 0 : index
    %swap3A_59 = vector.load %arg12[%swap3A, %swap3A_56, %swap3A_57, %swap3A_58] : memref<1x1x1x2304xi32, #tpu.memory_space<vmem>>, vector<1x1x1x2304xi32>
    %swap3A_60 = vector.shape_cast %swap3A_59 : vector<1x1x1x2304xi32> to vector<1x2304xi32>
    %swap3A_61 = vector.shape_cast %broadcast_in_dim3A_52 : vector<1x2304xi32> to vector<1x1x1x2304xi32>
    tpu.vector_store %arg12[%swap3A, %swap3A_56, %swap3A_57, %swap3A_58], %swap3A_61 {strides = array<i32>} : memref<1x1x1x2304xi32, #tpu.memory_space<vmem>>, vector<1x1x1x2304xi32>,
    %swap3A_62 = arith.constant 0 : index
    %swap3A_63 = arith.constant 0 : index
    %swap3A_64 = arith.constant 0 : index
    %swap3A_65 = arith.constant 0 : index
    %swap3A_66 = vector.load %arg13[%swap3A_62, %swap3A_63, %swap3A_64, %swap3A_65] : memref<1x1x1x2304xf32, #tpu.memory_space<vmem>>, vector<1x1x1x2304xf32>
    %swap3A_67 = vector.shape_cast %swap3A_66 : vector<1x1x1x2304xf32> to vector<1x2304xf32>
    %swap3A_68 = vector.shape_cast %broadcast_in_dim3A_48 : vector<1x2304xf32> to vector<1x1x1x2304xf32>
    tpu.vector_store %arg13[%swap3A_62, %swap3A_63, %swap3A_64, %swap3A_65], %swap3A_68 {strides = array<i32>} : memref<1x1x1x2304xf32, #tpu.memory_space<vmem>>, vector<1x1x1x2304xf32>,
    %get3A_69 = arith.constant 0 : index
    %get3A_70 = arith.constant 0 : index
    %get3A_71 = vector.load %arg9[%get3A_69, %get3A_70] : memref<48x2304xf32, #tpu.memory_space<vmem>>, vector<48x2304xf32>
    %dot_general3A_72 = arith.constant dense<0.000000e+00> : vector<48x1024xf32>
    %dot_general3A_73 = tpu.matmul %get3A_71, %select_n3A_55, %dot_general3A_72 {dimension_numbers = #tpu.dot_dimension_numbers<[1], [1], [0], [0], [0, 0, 1, 0], [], []>, transpose_lhs_hint = false} : vector<48x2304xf32>, vector<1024x2304xf32>, vector<48x1024xf32> -> vector<48x1024xf32>
    %get3A_74 = arith.constant 0 : index
    %get3A_75 = arith.constant 0 : index
    %get3A_76 = vector.load %arg8[%get3A_74, %get3A_75] : memref<1024x128xf32, #tpu.memory_space<vmem>>, vector<1024x64xf32>
    %dot_general3A_77 = arith.constant dense<0.000000e+00> : vector<48x64xf32>
    %dot_general3A_78 = tpu.matmul %dot_general3A_73, %get3A_76, %dot_general3A_77 {dimension_numbers = #tpu.dot_dimension_numbers<[1], [0], [0], [1], [0, 0, 1, 1], [], []>, transpose_lhs_hint = false} : vector<48x1024xf32>, vector<1024x64xf32>, vector<48x64xf32> -> vector<48x64xf32>
    %div3A_79 = arith.constant 4.800000e+01 : f32
    %div3A_80 = vector.broadcast %div3A_79 : f32 to vector<48x64xf32>
    %div3A_81 = arith.divf %dot_general3A_78, %div3A_80 : vector<48x64xf32>
    %reduce_sum3A_82 = arith.constant dense<0.000000e+00> : vector<48xf32>
    %reduce_sum3A_83 = vector.multi_reduction <add>, %div3A_81, %reduce_sum3A_82 [1] : vector<48x64xf32> to vector<48xf32>
    %broadcast_in_dim3A_84 = vector.shape_cast %reduce_sum3A_83 : vector<48xf32> to vector<48x1xf32>
    %div3A_85 = arith.constant 6.400000e+01 : f32
    %div3A_86 = vector.broadcast %div3A_85 : f32 to vector<48x1xf32>
    %div3A_87 = arith.divf %broadcast_in_dim3A_84, %div3A_86 : vector<48x1xf32>
    %sub3A = vector.broadcast %div3A_87 : vector<48x1xf32> to vector<48x64xf32>
    %sub3A_88 = arith.subf %div3A_81, %sub3A : vector<48x64xf32>
    %square3A = arith.mulf %sub3A_88, %sub3A_88 : vector<48x64xf32>
    %reduce_sum3A_89 = arith.constant dense<0.000000e+00> : vector<48xf32>
    %reduce_sum3A_90 = vector.multi_reduction <add>, %square3A, %reduce_sum3A_89 [1] : vector<48x64xf32> to vector<48xf32>
    %broadcast_in_dim3A_91 = vector.shape_cast %reduce_sum3A_90 : vector<48xf32> to vector<48x1xf32>
    %div3A_92 = arith.constant 6.400000e+01 : f32
    %div3A_93 = vector.broadcast %div3A_92 : f32 to vector<48x1xf32>
    %div3A_94 = arith.divf %broadcast_in_dim3A_91, %div3A_93 : vector<48x1xf32>
    %sub3A_95 = vector.broadcast %div3A_87 : vector<48x1xf32> to vector<48x64xf32>
    %sub3A_96 = arith.subf %div3A_81, %sub3A_95 : vector<48x64xf32>
    %add3A_97 = arith.constant 9.99999997E-7 : f32
    %add3A_98 = vector.broadcast %add3A_97 : f32 to vector<48x1xf32>
    %add3A_99 = arith.addf %div3A_94, %add3A_98 : vector<48x1xf32>
    %sqrt3A_100 = math.sqrt %add3A_99 : vector<48x1xf32>
    %div3A_101 = vector.broadcast %sqrt3A_100 : vector<48x1xf32> to vector<48x64xf32>
    %div3A_102 = arith.divf %sub3A_96, %div3A_101 : vector<48x64xf32>
    %get3A_103 = arith.constant 0 : index
    %get3A_104 = arith.constant 0 : index
    %get3A_105 = vector.load %arg10[%get3A_103, %get3A_104] : memref<1x64xf32, #tpu.memory_space<vmem>>, vector<1x64xf32>
    %get3A_106 = vector.shape_cast %get3A_105 : vector<1x64xf32> to vector<64xf32>
    %broadcast_in_dim3A_107 = vector.shape_cast %get3A_106 : vector<64xf32> to vector<1x64xf32>
    %mul3A_108 = vector.broadcast %broadcast_in_dim3A_107 : vector<1x64xf32> to vector<48x64xf32>
    %mul3A_109 = arith.mulf %div3A_102, %mul3A_108 : vector<48x64xf32>
    %get3A_110 = arith.constant 0 : index
    %get3A_111 = arith.constant 0 : index
    %get3A_112 = vector.load %arg11[%get3A_110, %get3A_111] : memref<1x64xf32, #tpu.memory_space<vmem>>, vector<1x64xf32>
    %get3A_113 = vector.shape_cast %get3A_112 : vector<1x64xf32> to vector<64xf32>
    %broadcast_in_dim3A_114 = vector.shape_cast %get3A_113 : vector<64xf32> to vector<1x64xf32>
    %add3A_115 = vector.broadcast %broadcast_in_dim3A_114 : vector<1x64xf32> to vector<48x64xf32>
    %add3A_116 = arith.addf %mul3A_109, %add3A_115 : vector<48x64xf32>
    %swap3A_117 = arith.constant 0 : index
    %swap3A_118 = arith.constant 0 : index
    %swap3A_119 = arith.constant 0 : index
    %swap3A_120 = arith.constant 0 : index
    %swap3A_121 = vector.load %arg14[%swap3A_117, %swap3A_118, %swap3A_119, %swap3A_120] : memref<1x1x48x64xf32, #tpu.memory_space<vmem>>, vector<1x1x48x64xf32>
    %swap3A_122 = vector.shape_cast %swap3A_121 : vector<1x1x48x64xf32> to vector<48x64xf32>
    %swap3A_123 = vector.shape_cast %add3A_116 : vector<48x64xf32> to vector<1x1x48x64xf32>
    tpu.vector_store %arg14[%swap3A_117, %swap3A_118, %swap3A_119, %swap3A_120], %swap3A_123 {strides = array<i32>} : memref<1x1x48x64xf32, #tpu.memory_space<vmem>>, vector<1x1x48x64xf32>,
    return
  }
  func.func @transform_0(%arg0: i32, %arg1: i32) -> (i32, i32, i32) {
    %c0_i32 = arith.constant 0 : i32
    %c0_i32_0 = arith.constant 0 : i32
    %c0_i32_1 = arith.constant 0 : i32
    return %arg0, %c0_i32, %c0_i32_0 : i32, i32, i32
  }
  func.func @transform_1(%arg0: i32, %arg1: i32) -> (i32, i32, i32) {
    %c0_i32 = arith.constant 0 : i32
    %c0_i32_0 = arith.constant 0 : i32
    %c0_i32_1 = arith.constant 0 : i32
    return %arg0, %c0_i32, %c0_i32_0 : i32, i32, i32
  }
  func.func @transform_2(%arg0: i32, %arg1: i32) -> (i32, i32, i32) {
    %c0_i32 = arith.constant 0 : i32
    %c0_i32_0 = arith.constant 0 : i32
    %c0_i32_1 = arith.constant 0 : i32
    return %arg0, %c0_i32, %c0_i32_0 : i32, i32, i32
  }
  func.func @transform_3(%arg0: i32, %arg1: i32) -> (i32, i32, i32) {
    %c0_i32 = arith.constant 0 : i32
    %c0_i32_0 = arith.constant 0 : i32
    %c0_i32_1 = arith.constant 0 : i32
    return %arg0, %c0_i32, %c0_i32_0 : i32, i32, i32
  }
  func.func @transform_4(%arg0: i32, %arg1: i32) -> (i32, i32, i32) {
    %c0_i32 = arith.constant 0 : i32
    %c0_i32_0 = arith.constant 0 : i32
    %c0_i32_1 = arith.constant 0 : i32
    return %arg1, %c0_i32, %c0_i32_0 : i32, i32, i32
  }
  func.func @transform_5(%arg0: i32, %arg1: i32) -> (i32, i32) {
    %c0_i32 = arith.constant 0 : i32
    %c0_i32_0 = arith.constant 0 : i32
    %c0_i32_1 = arith.constant 0 : i32
    return %c0_i32, %c0_i32_0 : i32, i32
  }
  func.func @transform_6(%arg0: i32, %arg1: i32) -> (i32, i32) {
    %c0_i32 = arith.constant 0 : i32
    %c0_i32_0 = arith.constant 0 : i32
    %c0_i32_1 = arith.constant 0 : i32
    return %c0_i32, %c0_i32_0 : i32, i32
  }
  func.func @transform_7(%arg0: i32, %arg1: i32) -> (i32, i32) {
    %c0_i32 = arith.constant 0 : i32
    %c0_i32_0 = arith.constant 0 : i32
    %c0_i32_1 = arith.constant 0 : i32
    return %c0_i32, %c0_i32_0 : i32, i32
  }
  func.func @transform_8(%arg0: i32, %arg1: i32) -> (i32, i32) {
    %c0_i32 = arith.constant 0 : i32
    %c0_i32_0 = arith.constant 0 : i32
    %c0_i32_1 = arith.constant 0 : i32
    return %c0_i32, %c0_i32_0 : i32, i32
  }
  func.func @transform_9(%arg0: i32, %arg1: i32) -> (i32, i32) {
    %c0_i32 = arith.constant 0 : i32
    %c0_i32_0 = arith.constant 0 : i32
    %c0_i32_1 = arith.constant 0 : i32
    return %c0_i32, %c0_i32_0 : i32, i32
  }
  func.func @transform_10(%arg0: i32, %arg1: i32) -> (i32, i32, i32, i32) {
    %c0_i32 = arith.constant 0 : i32
    %c0_i32_0 = arith.constant 0 : i32
    %c0_i32_1 = arith.constant 0 : i32
    return %arg0, %arg1, %c0_i32, %c0_i32_0 : i32, i32, i32, i32
  }
  func.func @transform_11(%arg0: i32, %arg1: i32) -> (i32, i32, i32, i32) {
    %c0_i32 = arith.constant 0 : i32
    %c0_i32_0 = arith.constant 0 : i32
    %c0_i32_1 = arith.constant 0 : i32
    return %arg0, %arg1, %c0_i32, %c0_i32_0 : i32, i32, i32, i32
  }
  func.func @transform_12(%arg0: i32, %arg1: i32) -> (i32, i32, i32, i32) {
    %c0_i32 = arith.constant 0 : i32
    %c0_i32_0 = arith.constant 0 : i32
    %c0_i32_1 = arith.constant 0 : i32
    return %arg0, %arg1, %c0_i32, %c0_i32_0 : i32, i32, i32, i32
  }
}

</mosaic_0001>

<sc_bundles>
// kernel: kernel.5.cloned.1.call-start
scs
__scs_entry_jumppad:
0x0: {  	(pc) =	sbr.rel $0x88, $3  }
0x1: {  	(tag) =	ssettag $0x0;
	lr =	simm.s32 $0x1  }
0x2: {  	[smem:$0x3F96] =	sst lr;
	_ =	strace $0xD0000000  }
0x3: {  	_ = 	snop  }
0x4: {  	_ = 	snop  }
0x5: {  	_ = 	snop  }
0x6: {  	_ = 	snop  }
0x7: {  	_ = 	snop  }
__scs_overlays_trampoline_lowered:
0x8: {  	[smem:$0x3FA5] =	sst s0  }
0x9: {  	[smem:$0x3FA6] =	sst s1  }
0xa: {  	[smem:$0x3FA7] =	sst s2  }
0xb: {  	[smem:$0x3FA8] =	sst s3  }
0xc: {  	[smem:$0x3FA9] =	sst s4  }
0xd: {  	[smem:$0x3FAA] =	sst s5  }
0xe: {  	[smem:$0x3FAB] =	sst s6  }
0xf: {  	[smem:$0x3FAC] =	sst s7  }
0x10: {  	[smem:$0x3FAD] =	sst s8  }
0x11: {  	[smem:$0x3FAE] =	sst s9;
	s0 =	simm.s32 @!p0 $0x0  }
0x12: {  	s1 =	sld [smem:$0x3F94];
	s0 =	simm.s32 @p0 $0x1  }
0x13: {  	[smem:$0x3FAF] =	sst s0;
	s0 =	simm.s32 @!p1 $0x0  }
0x14: {  	s2 =	sld [smem:$0x3F93];
	s0 =	simm.s32 @p1 $0x1  }
0x15: {  	[smem:$0x3FB0] =	sst s0;
	s0 =	simm.s32 @!p2 $0x0  }
0x16: {  	s3 =	sld [smem:$0x3FDB];
	s0 =	simm.s32 @p2 $0x1  }
0x17: {  	s4 =	simm.s32 $0x1BF5;
	[smem:$0x3FB2] =	sst s0  }
0x18: {  	s0 =	sld [smem:$0x3F95];
	_ =	swait.ge [sflag:s4], $0x0  }
0x19: {  	s7 =	sld [smem:$0x3F96]  }
0x1a: {  	s8 =	sadd.s32 $0xFFFFE003, lr  }
0x1b: {  	s9 =	sadd.s32 $0xFFFFFEF7, lr;
	s5 =	simm.s32 $0xFFFFFFFF;
	p2 =	slt.u32 s8, $0xFFFFF086  }
0x1c: {  	p1 =	slt.u32 s9, $0xF7A;
	s5 =	simm.s32 @!p2 $0x0  }
0x1d: {  	s5 =	simm.s32 @p1 $0x1;
	p0 =	seq.s32 s7, s2  }
0x1e: {  	s7 =	smul.u32 @!p0 $0xF7A, s2;
	p2 =	seq.s32 @!p0 s5, $0x0  }
0x1f: {  	s9 =	smul.u32 $0xF7A, s1;
	s8 =	simm.s32 @!p0 $0x1BF5;
	p2 =	por !p2, p0  }
0x20: {  	[sflag:s8] =	ssyncset.s32 @!p0 $0xFFFFF086;
	s6 =	sadd.s32 @!p0 s3, s7;
	s7 =	simm.s32 @!p0 $0x108  }
0x21: {  	s3 =	sadd.s32 s3, s9;
	s6 =	sadd.s32 @!p0 $0x88, s6;
	s7 =	simm.s32 @p2 $0x1082  }
0x22: {  	[simem:s7], [sflag:s8] =	dma.local @!p0 [hbm:s6], $0xF7A  }
0x23: {  	s9 =	sor.u32 $0xD0000000, s2;
	s6 =	simm.s32 $0x108;
	_ =	swait.ge @!p0 [sflag:s8], $0x0  }
0x24: {  	s3 =	sadd.s32 $0x88, s3;
	s6 =	simm.s32 @!p1 $0x1082;
	[sflag:s4] =	ssyncset.s32 $0xFFFFF086  }
0x25: {  	[simem:s6], [sflag:s4] =	dma.local [hbm:s3], $0xF7A  }
0x26: {  	[smem:$0x3F96] =	sst s1;
	(tag) =	ssettag s2;
	_ =	strace s9  }
0x27: {  	s1 =	sld [smem:$0x3FA6]  }
0x28: {  	s2 =	sld [smem:$0x3FA7]  }
0x29: {  	s4 =	sld [smem:$0x3FA9]  }
0x2a: {  	p0 =	seq.s32 s5, $0x0;
	s5 =	sld [smem:$0x3FAA]  }
0x2b: {  	s6 =	sld [smem:$0x3FAB]  }
0x2c: {  	s7 =	sld [smem:$0x3FAC]  }
0x2d: {  	s3 =	simm.s32 $0x108;
	s8 =	sld [smem:$0x3FAD]  }
0x2e: {  	s3 =	simm.s32 @!p0 $0x1082;
	s9 =	sld [smem:$0x3FAE]  }
0x2f: {  	lr =	sadd.s32 s0, s3;
	s0 =	sld [smem:$0x3FA5]  }
0x30: {  	s3 =	sld [smem:$0x3FA8]  }
0x31: {  	[smem:$0x3FB1] =	sst s10  }
0x32: {  	s10 =	sld [smem:$0x3FAF];
	_ =	sdelay $0x3  }
0x33: {  	p0 =	seq.s32 s10, $0x1;
	s10 =	sld [smem:$0x3FB1];
	_ =	sdelay $0x3  }
0x34: {  	[smem:$0x3FB1] =	sst s10  }
0x35: {  	s10 =	sld [smem:$0x3FB0];
	_ =	sdelay $0x3  }
0x36: {  	p1 =	seq.s32 s10, $0x1;
	s10 =	sld [smem:$0x3FB1];
	_ =	sdelay $0x3  }
0x37: {  	[smem:$0x3FB1] =	sst s10  }
0x38: {  	s10 =	sld [smem:$0x3FB2]  }
0x39: {  	_ = 	snop;
	(pc) =	sbr.ind lr, $3  }
0x3a: {  	_ = 	snop  }
0x3b: {  	_ = 	snop  }
0x3c: {  	p2 =	seq.s32 s10, $0x1;
	s10 =	sld [smem:$0x3FB1]  }
0x3d: {  	_ =	shalt  }
0x3e: {  	_ =	shalt  }
0x3f: {  	_ =	shalt  }
0x40: {  	_ =	shalt  }
0x41: {  	_ =	shalt  }
0x42: {  	_ =	shalt  }
0x43: {  	_ =	shalt  }
0x44: {  	_ =	shalt  }
0x45: {  	_ =	shalt  }
0x46: {  	_ =	shalt  }
0x47: {  	_ =	shalt  }
0x48: {  	_ =	shalt  }
0x49: {  	_ =	shalt  }
0x4a: {  	_ =	shalt  }
0x4b: {  	_ =	shalt  }
0x4c: {  	_ =	shalt  }
0x4d: {  	_ =	shalt  }
0x4e: {  	_ =	shalt  }
0x4f: {  	_ =	shalt  }
0x50: {  	_ =	shalt  }
0x51: {  	_ =	shalt  }
0x52: {  	_ =	shalt  }
0x53: {  	_ =	shalt  }
0x54: {  	_ =	shalt  }
0x55: {  	_ =	shalt  }
0x56: {  	_ =	shalt  }
0x57: {  	_ =	shalt  }
0x58: {  	_ =	shalt  }
0x59: {  	_ =	shalt  }
0x5a: {  	_ =	shalt  }
0x5b: {  	_ =	shalt  }
0x5c: {  	_ =	shalt  }
0x5d: {  	_ =	shalt  }
0x5e: {  	_ =	shalt  }
0x5f: {  	_ =	shalt  }
0x60: {  	_ =	shalt  }
0x61: {  	_ =	shalt  }
0x62: {  	_ =	shalt  }
0x63: {  	_ =	shalt  }
0x64: {  	_ =	shalt  }
0x65: {  	_ =	shalt  }
0x66: {  	_ =	shalt  }
0x67: {  	_ =	shalt  }
0x68: {  	_ =	shalt  }
0x69: {  	_ =	shalt  }
0x6a: {  	_ =	shalt  }
0x6b: {  	_ =	shalt  }
0x6c: {  	_ =	shalt  }
0x6d: {  	_ =	shalt  }
0x6e: {  	_ =	shalt  }
0x6f: {  	_ =	shalt  }
0x70: {  	_ =	shalt  }
0x71: {  	_ =	shalt  }
0x72: {  	_ =	shalt  }
0x73: {  	_ =	shalt  }
0x74: {  	_ =	shalt  }
0x75: {  	_ =	shalt  }
0x76: {  	_ =	shalt  }
0x77: {  	_ =	shalt  }
0x78: {  	_ =	shalt  }
0x79: {  	_ =	shalt  }
0x7a: {  	_ =	shalt  }
0x7b: {  	_ =	shalt  }
0x7c: {  	_ =	shalt  }
0x7d: {  	_ =	shalt  }
0x7e: {  	_ =	shalt  }
0x7f: {  	_ =	shalt  }
0x80: {  	_ =	shalt  }
0x81: {  	_ =	shalt  }
0x82: {  	_ =	shalt  }
0x83: {  	_ =	shalt  }
0x84: {  	_ =	shalt  }
0x85: {  	_ =	shalt  }
0x86: {  	_ =	shalt  }
0x87: {  	_ =	shalt  }
.Lfunc_end0:
.L_simem_size_0:
called_computation_lowered:
.L_overlay_start_0:
0x88: {  	s2 =	sld [smem:$0x3FD9]  }
0x89: {  	s3 =	sld [smem:$0x3FFE];
	_ =	sdelay $0x1  }
0x8a: {  	s1 =	srdreg.scid  }
0x8b: {  	s0 =	sand.u32 $0x1, s1  }
0x8c: {  	s14 =	sshll.u32 s0, $0xA;
	s2 =	sadd.s32 s3, s2  }
0x8d: {  	s2 =	sadd.s32 s2, s14  }
0x8e: {  	[smem:$0x3FBD] =	sst s2  }
0x8f: {  	_ = 	snop  }
0x90: {  	s2 =	sld [smem:$0x3FD0];
	_ =	sdelay $0x2  }
0x91: {  	s15 =	simm.s32 $0xA;
	s4 =	simm.s32 $0x10  }
0x92: {  	[smem:s4], [sflag:s15] =	dma.local [hbm:s2], $0x1  }
0x93: {  	_ =	swait.eq [sflag:s15], $0x1  }
0x94: {  	[sflag:s15] =	ssyncset.done $0x0  }
0x95: {  	[sflag:s15] =	ssyncadd.s32 $0xFFFFFFFF  }
0x96: {  	s16 =	sld [smem:$0x13];
	(tm) =	ssettm $0x1  }
0x97: {  	s17 =	sld [smem:$0x3FFB];
	_ =	sdelay $0x3  }
0x98: {  	_ =	strace s17  }
0x99: {  	s3 =	sld [smem:$0x3FFC];
	_ =	sdelay $0x3  }
0x9a: {  	_ =	strace s3  }
0x9b: {  	s3 =	sld [smem:$0x3FFD];
	_ =	sdelay $0x3  }
0x9c: {  	_ =	strace s3  }
0x9d: {  	_ =	strace $0x8FFFFFFF  }
0x9e: {  	s18 =	sld [smem:$0x3FDB];
	_ =	sdelay $0x1  }
0x9f: {  	s19 =	simm.s32 $_scs_section_size  }
0xa0: {  	s5 =	simm.s32 $_size__tile_overlayer_lowered;
	s6 =	simm.s32 $_tile_overlayer_lowered  }
0xa1: {  	s22 =	simm.s32 $0x1BFF;
	s21 =	sshll.u32 s6, $0x1;
	s3 =	sadd.s32 s19, s18  }
0xa2: {  	s7 =	simm.s32 $0x0;
	s20 =	sshll.u32 s5, $0x1;
	s5 =	sadd.s32 s21, s3  }
0xa3: {  	[timem:s7], [sflag:s22] =	dma.local [hbm:s5], s20  }
0xa4: {  	_ =	swait.ge [sflag:s22], s20  }
0xa5: {  	s4 =	ssub.s32 $0x0, s20;
	[sflag:s22] =	ssyncset.done $0x0  }
0xa6: {  	[sflag:s22] =	ssyncadd.s32 s4;
	_ =	sdelay $0x1  }
0xa7: {  	s23 =	simm.s32 $0x1B8B  }
0xa8: {  	_ =	swait.ge [sflag:s23], $0x1  }
0xa9: {  	[sflag:s23] =	ssyncset.done $0x0  }
0xaa: {  	s25 =	simm.s32 $0x1B8E;
	s24 =	sld [smem:$0x3FFE];
	[sflag:s23] =	ssyncadd.s32 $0xFFFFFFFF  }
0xab: {  	s26 =	simm.s32 $execute0_lowered;
	[smem:$0x3FD2] =	sst s25  }
0xac: {  	s5 =	sshll.u32 s26, $0x1;
	_ =	strace $0x80000046;
	[dreg:$0x1] =	wrdreg $0xFFFFFFFF  }
0xad: {  	s28 =	simm.s32 $_size_execute0_lowered;
	s3 =	sadd.s32 s3, s5;
	[dreg:$0x0] =	wrdreg $0x0  }
0xae: {  	s5 =	sshll.u32 s28, $0x1;
	[dreg:$0x2] =	wrdreg s3  }
0xaf: {  	[dreg:$0x3] =	wrdreg s5  }
0xb0: {  	[dreg:$0x4] =	wrdreg $0xC0  }
0xb1: {  	_ =	task [dreg:s7], $0x5FFFF  }
0xb2: {  	[dreg:$0x1] =	wrdreg $0xFFFFFFFF  }
0xb3: {  	[dreg:$0x0] =	wrdreg $0x60  }
0xb4: {  	[dreg:$0x2] =	wrdreg s24  }
0xb5: {  	[dreg:$0x3] =	wrdreg s16  }
0xb6: {  	[dreg:$0x4] =	wrdreg $0x9  }
0xb7: {  	_ =	task.clear_ibuf [dreg:s7], $0x5FFFF;
	_ =	strace $0x90000046  }
0xb8: {  	s29 =	simm.s32 $0x9;
	_ =	strace $0x80000048  }
0xb9: {  	_ =	swait.ge [sflag:s29], $0x1  }
0xba: {  	[sflag:s29] =	ssyncadd.s32 $0xFFFFFFFF  }
0xbb: {  	_ =	strace $0x90000048  }
0xbc: {  	_ =	sfence  }
0xbd: {  	s30 =	sld [smem:$0x0];
	_ =	sdelay $0x2  }
0xbe: {  	s31 =	sshll.u32 s1, $0xD;
	s1 =	sshrl.u32 s1, $0x2  }
0xbf: {  	s3 =	sand.u32 $0x4000, s31;
	s1 =	sadd.s32 s1, s30  }
0xc0: {  	s0 =	sor.u32 s3, s0;
	s1 =	sshll.u32 s1, $0x11  }
0xc1: {  	s0 =	sor.u32 s1, s0  }
0xc2: {  	s0 =	sadd.s32 $0x8F2B, s0  }
0xc3: {  	[sflag:s0] =	ssyncadd.remote.s32 $0x1  }
0xc4: {  	_ =	sfence.sel $0xFFFF  }
0xc5: {  	[dreg:$0x0] =	wrdreg $0xFFFFFFFF;
	(pc) =	sbr.abs _section_cstart, $3  }
0xc6: {  	[dreg:$0x1] =	wrdreg $0xFFFFFFFF  }
0xc7: {  	_ =	task.clear_ibuf [dreg:s7], $0x2FFFF;
	_ =	strace $0x9FFFFFFF  }
0xc8: {  	(tm) =	ssettm $0x7FFFFFFF  }
0xc9: {  	_ =	shalt  }
tec
execute0_lowered:
.L_overlay_start_1:
0x0: {  	(tag) =	ssettag $0x1  }
0x1: {  	s1 =	srdreg.scid;
	s0 =	stileid.u32  }
0x2: {  	s21 =	sand.u32 $0x1, s1;
	s31 =	sshll.u32 s0, $0x1  }
0x3: {  	s11 =	rddreg [dreg:$0x0];
	s16 =	sor.u32 s21, s31  }
0x4: {  	s20 =	rddreg [dreg:$0x1];
	s9 =	smul.u32 $0x480, s16  }
0x5: {  	s2 =	simm.s32 $0x0;
	s1 =	rddreg [dreg:$0x2]  }
0x6: {  	[smem:$0x7FF] =	sst s2;
	s10 =	sadd.s32 $0x5200, s11;
	s3 =	sshrl.u32 s9, $0x3  }
0x7: {  	_ =	strace $0x80000047;
	s4 =	sadd.s32 s10, s3;
	s3 =	simm.s32 $0x3  }
0x8: {  	[tilespmem:s2], [sflag:$0x3] =	stream.linear.gather [hbm4b:s4+s2], $0x120, $0x38;
	[tilespmem:$0x12600] =	vst v63  }
0x9: {  	s18 =	sadd.s32 $0x120, s9;
	_ =	swait.ge [sflag:s3], $0x120  }
0xa: {  	s5 =	sshrl.u32 s18, $0x3;
	[sflag:s3] =	ssyncset.done $0x0  }
0xb: {  	s6 =	simm.s32 $0x180;
	s5 =	sadd.s32 s10, s5;
	[sflag:s3] =	ssyncadd.s32 $0xFFFFFEE0  }
0xc: {  	[tilespmem:s6], [sflag:$0x3] =	stream.linear.gather [hbm4b:s5+s2], $0x120, $0x38;
	[tilespmem:$0x12600] =	vst v63  }
0xd: {  	s19 =	sadd.s32 $0x240, s9;
	_ =	swait.ge [sflag:s3], $0x120  }
0xe: {  	s7 =	sshrl.u32 s19, $0x3;
	[sflag:s3] =	ssyncset.done $0x0  }
0xf: {  	s8 =	simm.s32 $0x300;
	s7 =	sadd.s32 s10, s7;
	[sflag:s3] =	ssyncadd.s32 $0xFFFFFEE0  }
0x10: {  	[tilespmem:s8], [sflag:$0x3] =	stream.linear.gather [hbm4b:s7+s2], $0x120, $0x38;
	[tilespmem:$0x12600] =	vst v63  }
0x11: {  	s22 =	sadd.s32 $0x360, s9;
	_ =	swait.ge [sflag:s3], $0x120  }
0x12: {  	s9 =	sshrl.u32 s22, $0x3;
	[sflag:s3] =	ssyncset.done $0x0  }
0x13: {  	s9 =	sadd.s32 s10, s9;
	s10 =	simm.s32 $0x480;
	[sflag:s3] =	ssyncadd.s32 $0xFFFFFEE0  }
0x14: {  	[tilespmem:s10], [sflag:$0x3] =	stream.linear.gather [hbm4b:s9+s2], $0x120, $0x38;
	[tilespmem:$0x12600] =	vst v63  }
0x15: {  	_ =	swait.ge [sflag:s3], $0x120  }
0x16: {  	s12 =	simm.s32 $0x120;
	[sflag:s3] =	ssyncset.done $0x0  }
0x17: {  	s13 =	simm.s32 $0x600;
	s11 =	sadd.s32 $0x1200, s11;
	[sflag:s3] =	ssyncadd.s32 $0xFFFFFEE0  }
0x18: {  	[tilespmem:s13], [sflag:$0x1] =	stream.indirect.gather [hbm4b:s11+s12], $0x80, s2, s12, $0xb8;
	[tilespmem:$0x12600] =	vst v63  }
0x19: {  	s14 =	simm.s32 $0x9600;
	s15 =	simm.s32 $0x1  }
0x1a: {  	[tilespmem:s14], [sflag:$0x2] =	stream.indirect.gather [hbm4b:s11+s12], $0x80, s6, s12, $0xb8;
	[tilespmem:$0x12600] =	vst v63  }
0x1b: {  	s16 =	smul.u32 $0x4800, s16;
	_ =	swait.ge [sflag:s15], $0x9000  }
0x1c: {  	[sflag:s15] =	ssyncset.done $0x0  }
0x1d: {  	s16 =	sadd.s32 s20, s16;
	[sflag:s15] =	ssyncadd.s32 $0xFFFF7000  }
0x1e: {  	[hbm4b:s16+s2] =	stream.linear.scatter [tilespmem:s13], [sflag:$0x3], $0x9000, $0x38;
	[tilespmem:$0x12600] =	vst v63  }
0x1f: {  	_ =	swait.ge [sflag:s3], $0x9000  }
0x20: {  	[sflag:s3] =	ssyncset.done $0x0  }
0x21: {  	s17 =	simm.s32 $0x2;
	[sflag:s3] =	ssyncadd.s32 $0xFFFF7000  }
0x22: {  	[tilespmem:s13], [sflag:$0x1] =	stream.indirect.gather [hbm4b:s11+s12], $0x80, s8, s12, $0xb8;
	[tilespmem:$0x12600] =	vst v63  }
0x23: {  	_ =	swait.ge [sflag:s17], $0x9000  }
0x24: {  	s18 =	sshll.u32 s18, $0x4;
	[sflag:s17] =	ssyncset.done $0x0  }
0x25: {  	s18 =	sadd.s32 s20, s18;
	[sflag:s17] =	ssyncadd.s32 $0xFFFF7000  }
0x26: {  	[hbm4b:s18+s2] =	stream.linear.scatter [tilespmem:s14], [sflag:$0x3], $0x9000, $0x38;
	[tilespmem:$0x12600] =	vst v63  }
0x27: {  	_ =	swait.ge [sflag:s3], $0x9000  }
0x28: {  	[sflag:s3] =	ssyncset.done $0x0  }
0x29: {  	[sflag:s3] =	ssyncadd.s32 $0xFFFF7000  }
0x2a: {  	[tilespmem:s14], [sflag:$0x2] =	stream.indirect.gather [hbm4b:s11+s12], $0x80, s10, s12, $0xb8;
	[tilespmem:$0x12600] =	vst v63  }
0x2b: {  	_ =	swait.ge [sflag:s15], $0x9000  }
0x2c: {  	s19 =	sshll.u32 s19, $0x4;
	[sflag:s15] =	ssyncset.done $0x0  }
0x2d: {  	s21 =	ssub.s32 $0x2, s21;
	s19 =	sadd.s32 s20, s19;
	[sflag:s15] =	ssyncadd.s32 $0xFFFF7000  }
0x2e: {  	[hbm4b:s19+s2] =	stream.linear.scatter [tilespmem:s13], [sflag:$0x3], $0x9000, $0x38;
	[tilespmem:$0x12600] =	vst v63  }
0x2f: {  	s23 =	sshrl.u32 s21, $0x1;
	_ =	swait.ge [sflag:s3], $0x9000  }
0x30: {  	s21 =	ssub.s32 s21, s23;
	[sflag:s3] =	ssyncset.done $0x0  }
0x31: {  	s21 =	smax.u32 s21, $0x1;
	[sflag:s3] =	ssyncadd.s32 $0xFFFF7000  }
0x32: {  	p0 =	sne.s32 s21, $0x1;
	_ =	swait.ge [sflag:s17], $0x9000  }
.Ltmp0:
0x33: {  	s22 =	sshll.u32 s22, $0x4;
	[sflag:s17] =	ssyncset.done $0x0;
	(pc) =	sbr.rel @!p0 .LBB2_2-.Ltmp0, $4  }
0x34: {  	s20 =	sadd.s32 s20, s22;
	[sflag:s17] =	ssyncadd.s32 $0xFFFF7000  }
0x35: {  	[hbm4b:s20+s2] =	stream.linear.scatter [tilespmem:s14], [sflag:$0x3], $0x9000, $0x38;
	[tilespmem:$0x12600] =	vst v63  }
0x36: {  	_ =	swait.ge [sflag:s3], $0x9000  }
0x37: {  	s21 =	sadd.s32 $0xFFFFFFFF, s21;
	[sflag:s3] =	ssyncset.done $0x0  }
.LBB2_1:
0x38: {  	p0 =	sne.s32 s21, $0x1;
	s21 =	sadd.s32 $0xFFFFFFFF, s21;
	[sflag:s3] =	ssyncadd.s32 $0xFFFF7000  }
0x39: {  	[tilespmem:s2], [sflag:$0x3] =	stream.linear.gather [hbm4b:s4+s2], $0x120, $0x38;
	[tilespmem:$0x12600] =	vst v63  }
0x3a: {  	_ =	swait.ge [sflag:s3], $0x120  }
0x3b: {  	[sflag:s3] =	ssyncset.done $0x0  }
0x3c: {  	[sflag:s3] =	ssyncadd.s32 $0xFFFFFEE0  }
0x3d: {  	[tilespmem:s6], [sflag:$0x3] =	stream.linear.gather [hbm4b:s5+s2], $0x120, $0x38;
	[tilespmem:$0x12600] =	vst v63  }
0x3e: {  	_ =	swait.ge [sflag:s3], $0x120  }
0x3f: {  	[sflag:s3] =	ssyncset.done $0x0  }
0x40: {  	[sflag:s3] =	ssyncadd.s32 $0xFFFFFEE0  }
0x41: {  	[tilespmem:s8], [sflag:$0x3] =	stream.linear.gather [hbm4b:s7+s2], $0x120, $0x38;
	[tilespmem:$0x12600] =	vst v63  }
0x42: {  	_ =	swait.ge [sflag:s3], $0x120  }
0x43: {  	[sflag:s3] =	ssyncset.done $0x0  }
0x44: {  	[sflag:s3] =	ssyncadd.s32 $0xFFFFFEE0  }
0x45: {  	[tilespmem:s10], [sflag:$0x3] =	stream.linear.gather [hbm4b:s9+s2], $0x120, $0x38;
	[tilespmem:$0x12600] =	vst v63  }
0x46: {  	_ =	swait.ge [sflag:s3], $0x120  }
0x47: {  	[sflag:s3] =	ssyncset.done $0x0  }
0x48: {  	[sflag:s3] =	ssyncadd.s32 $0xFFFFFEE0  }
0x49: {  	[tilespmem:s13], [sflag:$0x1] =	stream.indirect.gather [hbm4b:s11+s12], $0x80, s2, s12, $0xb8;
	[tilespmem:$0x12600] =	vst v63  }
0x4a: {  	_ = 	snop  }
0x4b: {  	[tilespmem:s14], [sflag:$0x2] =	stream.indirect.gather [hbm4b:s11+s12], $0x80, s6, s12, $0xb8;
	[tilespmem:$0x12600] =	vst v63  }
0x4c: {  	_ =	swait.ge [sflag:s15], $0x9000  }
0x4d: {  	[sflag:s15] =	ssyncset.done $0x0  }
0x4e: {  	[sflag:s15] =	ssyncadd.s32 $0xFFFF7000  }
0x4f: {  	[hbm4b:s16+s2] =	stream.linear.scatter [tilespmem:s13], [sflag:$0x3], $0x9000, $0x38;
	[tilespmem:$0x12600] =	vst v63  }
0x50: {  	_ =	swait.ge [sflag:s3], $0x9000  }
0x51: {  	[sflag:s3] =	ssyncset.done $0x0  }
0x52: {  	[sflag:s3] =	ssyncadd.s32 $0xFFFF7000  }
0x53: {  	[tilespmem:s13], [sflag:$0x1] =	stream.indirect.gather [hbm4b:s11+s12], $0x80, s8, s12, $0xb8;
	[tilespmem:$0x12600] =	vst v63  }
0x54: {  	_ =	swait.ge [sflag:s17], $0x9000  }
0x55: {  	[sflag:s17] =	ssyncset.done $0x0  }
0x56: {  	[sflag:s17] =	ssyncadd.s32 $0xFFFF7000  }
0x57: {  	[hbm4b:s18+s2] =	stream.linear.scatter [tilespmem:s14], [sflag:$0x3], $0x9000, $0x38;
	[tilespmem:$0x12600] =	vst v63  }
0x58: {  	_ =	swait.ge [sflag:s3], $0x9000  }
0x59: {  	[sflag:s3] =	ssyncset.done $0x0  }
0x5a: {  	[sflag:s3] =	ssyncadd.s32 $0xFFFF7000  }
0x5b: {  	[tilespmem:s14], [sflag:$0x2] =	stream.indirect.gather [hbm4b:s11+s12], $0x80, s10, s12, $0xb8;
	[tilespmem:$0x12600] =	vst v63  }
0x5c: {  	_ =	swait.ge [sflag:s15], $0x9000  }
0x5d: {  	[sflag:s15] =	ssyncset.done $0x0  }
0x5e: {  	[sflag:s15] =	ssyncadd.s32 $0xFFFF7000  }
0x5f: {  	[hbm4b:s19+s2] =	stream.linear.scatter [tilespmem:s13], [sflag:$0x3], $0x9000, $0x38;
	[tilespmem:$0x12600] =	vst v63  }
0x60: {  	_ =	swait.ge [sflag:s3], $0x9000  }
0x61: {  	[sflag:s3] =	ssyncset.done $0x0  }
0x62: {  	[sflag:s3] =	ssyncadd.s32 $0xFFFF7000  }
0x63: {  	_ =	swait.ge [sflag:s17], $0x9000  }
.Ltmp1:
0x64: {  	[sflag:s17] =	ssyncset.done $0x0;
	(pc) =	sbr.rel @p0 .LBB2_1-.Ltmp1, $4  }
0x65: {  	[sflag:s17] =	ssyncadd.s32 $0xFFFF7000  }
0x66: {  	[hbm4b:s20+s2] =	stream.linear.scatter [tilespmem:s14], [sflag:$0x3], $0x9000, $0x38;
	[tilespmem:$0x12600] =	vst v63  }
0x67: {  	_ =	swait.ge [sflag:s3], $0x9000  }
0x68: {  	[sflag:s3] =	ssyncset.done $0x0  }
.LBB2_2:
0x69: {  	[sflag:s3] =	ssyncadd.s32 $0xFFFF7000  }
0x6a: {  	_ =	sfence.sel $0x180000  }
0x6b: {  	[bflag:$0x0] =	sbarrier.arrive $0xFFFF  }
0x6c: {  	p0 =	sne.s32 s0, $0x0;
	_ =	strace $0x90000047  }
0x6d: {  	s0 =	sadd.s32 @!p0 $0x100000, s1;
	[bflag:$0x2] =	sbarrier.arrive $0xFFFF  }
0x6e: {  	[sflag:s0] =	ssyncadd.tile.s32 @!p0 $0x1;
	_ =	shalt  }
.Lfunc_end2:
_tile_overlayer_lowered:
.L_overlay_start_2:
0x6f: {  	(tag) =	ssettag $0x2  }
0x70: {  	s0 =	rddreg [dreg:$0x0];
	s2 =	stileid.u32  }
0x71: {  	s1 =	rddreg [dreg:$0x1];
	p0 =	sne.s32 s2, $0x0  }
0x72: {  	s3 =	rddreg [dreg:$0x2];
	[bflag:$0x3] =	sbarrier.arrive $0xFFFF;
	s2 =	simm.s32 @!p0 $0x1C03  }
0x73: {  	[timem:s3], [sflag:s2] =	dma.local @!p0 [hbm:s0], s1  }
0x74: {  	s0 =	simm.s32 @!p0 $0x3  }
0x75: {  	_ =	swait.ge @!p0 [sflag:s0], s1  }
0x76: {  	s1 =	ssub.s32 @!p0 $0x0, s1;
	[sflag:s0] =	ssyncset.done @!p0 $0x0  }
0x77: {  	[sflag:s0] =	ssyncadd.s32 @!p0 s1  }
0x78: {  	[bflag:$0x3] =	sbarrier.arrive $0xFFFF  }
0x79: {  	_ =	shalt  }

</sc_bundles>
